<compile_context>
chip_gen: v7x
topology: tpu7x:2x2x1
jax: 0.10.2.dev20260603
libtpu: 0.0.44.dev20260713+nightly
codegen_flags: <defaults>
</compile_context>

<pallas_src>
import functools

import jax
import jax.numpy as jnp
from jax import lax
from jax.experimental import pallas as pl
from jax.experimental.pallas import tpu as pltpu
from jax.experimental.pallas import tpu_sc as plsc

SZ = 2048
TEMP = 10.0
EPS = 1e-20
LN2 = 0.6931471805599453

SC_ROWS = 896
TC_ROWS_PER_BLOCK = 64

_NC, _NS = 2, 16
_NW = _NC * _NS


def _native_view(x):
    return (
        x.reshape(SZ, 16, 128, 2)
        .transpose(0, 1, 3, 2)
        .reshape(SZ, 32, 128)
    )



def _tc_body(g_ref, u_ref, o_ref):
    for g in range(16):
        a0 = g_ref[:, 2 * g, :]
        a1 = g_ref[:, 2 * g + 1, :]
        u0 = u_ref[:, 2 * g, :]
        u1 = u_ref[:, 2 * g + 1, :]
        L0 = EPS - jnp.log(u0 + EPS)
        L1 = EPS - jnp.log(u1 + EPS)
        lr = jnp.log(L0 / L1)
        s = (a0 - a1 - lr) * (0.5 / TEMP)
        o_ref[:, 128 * g:128 * (g + 1)] = 0.5 + 0.5 * jnp.tanh(s)


def _tc_call(gm, uu, row0, nrows, full=False):
    grid = nrows // TC_ROWS_PER_BLOCK
    off = row0 // TC_ROWS_PER_BLOCK
    oshape = (SZ, SZ) if full else (nrows, SZ)
    oidx = (lambda i: (i + off, 0)) if full else (lambda i: (i, 0))
    return pl.pallas_call(
        _tc_body,
        grid=(grid,),
        in_specs=[
            pl.BlockSpec((TC_ROWS_PER_BLOCK, 32, 128), lambda i: (i + off, 0, 0)),
            pl.BlockSpec((TC_ROWS_PER_BLOCK, 32, 128), lambda i: (i + off, 0, 0)),
        ],
        out_specs=pl.BlockSpec((TC_ROWS_PER_BLOCK, SZ), oidx),
        out_shape=jax.ShapeDtypeStruct(oshape, jnp.float32),
    )(gm, uu)



_C = 4
_NBUF = 2


_P8 = (0.9999936302584942, -0.49982549864297415, 0.33144665223895153,
       -0.23943337072679435, 0.16499812978978992, -0.09229041732432854,
       0.03426459991863622, -0.006006605041074868)
_P5 = (0.9991664010110767, -0.48969909032090764, 0.2838231830655365,
       -0.12995719765851482, 0.029808765243560027)


def _ln_poly(v, coeffs):
    b = lax.bitcast_convert_type(v, jnp.int32)
    e = lax.shift_right_arithmetic(b, 23) - 127
    m = lax.bitcast_convert_type(
        (b & 0x007FFFFF) | 0x3F800000, jnp.float32)
    t = m - 1.0
    p = coeffs[-1]
    for c in reversed(coeffs[:-1]):
        p = c + t * p
    return e.astype(jnp.float32) * LN2 + t * p


def _sc_body(nrows, g_hbm, u_hbm, o_hbm, gbuf, ubuf, obuf, gsem, usem, osem):
    wid = lax.axis_index("s") * _NC + lax.axis_index("c")
    rpw = nrows // _NW
    base = wid * rpw
    nchunks = rpw // _C

    def issue_in(k):
        slot = lax.rem(k, _NBUF)
        row = base + k * _C
        pltpu.async_copy(g_hbm.at[pl.ds(row, _C)], gbuf.at[slot], gsem)
        pltpu.async_copy(u_hbm.at[pl.ds(row, _C)], ubuf.at[slot], usem)

    def wait_in():
        pltpu.make_async_copy(g_hbm.at[pl.ds(0, _C)], gbuf.at[0], gsem).wait()
        pltpu.make_async_copy(u_hbm.at[pl.ds(0, _C)], ubuf.at[0], usem).wait()

    def issue_out(k):
        slot = lax.rem(k, _NBUF)
        row = base + k * _C
        pltpu.async_copy(obuf.at[slot], o_hbm.at[pl.ds(row, _C)], osem)

    def wait_out():
        pltpu.make_async_copy(obuf.at[0], o_hbm.at[pl.ds(0, _C)], osem).wait()

    def compute(k):
        slot = lax.rem(k, _NBUF)

        @plsc.parallel_loop(0, _C * 128, 1, unroll=4)
        def _(q):
            rc = lax.shift_right_logical(q, 7)
            gg = q & 127
            g2 = lax.shift_right_logical(gg, 3) * 2
            col = (gg & 7) * 16
            a0 = gbuf[slot, rc, g2, pl.ds(col, 16)]
            a1 = gbuf[slot, rc, g2 + 1, pl.ds(col, 16)]
            u0 = ubuf[slot, rc, g2, pl.ds(col, 16)]
            u1 = ubuf[slot, rc, g2 + 1, pl.ds(col, 16)]
            l0 = _ln_poly(u0, _P8)
            l1 = _ln_poly(u1, _P8)
            lr = _ln_poly(l0 / l1, _P5)
            s = (a1 - a0 + lr) * (1.0 / TEMP)
            obuf[slot, rc, pl.ds(gg * 16, 16)] = 1.0 / (1.0 + jnp.exp(s))

    issue_in(0)

    def body(k, c):
        @pl.when(k + 1 < nchunks)
        def _():
            issue_in(k + 1)

        wait_in()

        @pl.when(k >= _NBUF)
        def _():
            wait_out()

        compute(k)
        issue_out(k)
        return c

    lax.fori_loop(0, nchunks, body, 0)
    for _ in range(min(nchunks, _NBUF)):
        wait_out()


def _sc_call(gm, uu, nrows):
    body = functools.partial(_sc_body, nrows)
    mesh = plsc.VectorSubcoreMesh(core_axis_name="c", subcore_axis_name="s")
    fn = pl.kernel(
        body,
        out_type=jax.ShapeDtypeStruct((nrows, SZ), jnp.float32),
        mesh=mesh,
        scratch_types=[
            pltpu.VMEM((_NBUF, _C, 32, 128), jnp.float32),
            pltpu.VMEM((_NBUF, _C, 32, 128), jnp.float32),
            pltpu.VMEM((_NBUF, _C, SZ), jnp.float32),
            pltpu.SemaphoreType.DMA,
            pltpu.SemaphoreType.DMA,
            pltpu.SemaphoreType.DMA,
        ],
    )
    return fn(gm, uu)



def kernel(gen_matrix, u):
    gm = _native_view(gen_matrix.reshape(SZ, SZ, 2))
    uu = _native_view(u.reshape(SZ, SZ, 2))
    if SC_ROWS == 0:
        return _tc_call(gm, uu, 0, SZ)
    if SC_ROWS == SZ:
        return _sc_call(gm, uu, SZ)
    top = _sc_call(gm, uu, SC_ROWS)
    bot = _tc_call(gm, uu, SC_ROWS, SZ - SC_ROWS, full=True)
    return lax.dynamic_update_slice(bot, top, (0, 0))

# --- scband reference (transcript-rebuilt; emitter-appended) ---
"""Pipeline reference for scband-gumbel-generator-old-16484084483463 (READ-ONLY COPY).

The authoritative reference and input builder live on the scoring server;
editing this copy changes nothing except your own understanding.
"""

import jax, jax.numpy as jnp
import numpy as np

SZ = 2048
TEMP = 10.0
EPS = 1e-20


def setup_inputs(seed: int = 0) -> dict:
    key = jax.random.key(seed)
    k1, k2 = jax.random.split(key)
    # learned parameter: Parameter(torch.rand(sz, sz, 2))
    gen_matrix = jax.random.uniform(k1, (SZ, SZ, 2), dtype=jnp.float32)
    # uniform noise for the Gumbel sample (torch.rand inside gumbel_sample)
    u = jax.random.uniform(k2, (SZ * SZ, 2), dtype=jnp.float32)
    return {"gen_matrix": gen_matrix, "u": u}


def reference(gen_matrix, u):
    # sample_all(hard=False): logp = gen_matrix.view(-1, 2)
    logits = gen_matrix.reshape(-1, 2)
    # gumbel_sample: -log(-log(u + eps) + eps)
    gumbel = -jnp.log(-jnp.log(u + EPS) + EPS)
    # gumbel_softmax_sample: softmax((logits + gumbel) / temperature, dim=1)
    y = jax.nn.softmax((logits + gumbel) / TEMP, axis=1)
    # out_matrix = out[:, 0].view(sz, sz)
    out_matrix = y[:, 0].reshape(SZ, SZ)
    return out_matrix

if __name__ == "__main__":
    import jax
    _d = setup_inputs()
    print(jax.jit(kernel)(*tuple(_d.values())))

</pallas_src>

<mosaic_0001>
#map = affine_map<(d0, d1) -> (0, 0, 0)>
#map1 = affine_map<(d0, d1) -> (0, 0)>
module attributes {stable_mosaic.version = 14 : i64} {
  func.func @_sc_body(%arg0: i32, %arg1: i32, %arg2: memref<2048x32x128xf32, #tpu.memory_space<hbm>>, %arg3: memref<2048x32x128xf32, #tpu.memory_space<hbm>>, %arg4: memref<896x2048xf32, #tpu.memory_space<hbm>>, %arg5: memref<2x4x32x128xf32, #tpu.memory_space<vmem>>, %arg6: memref<2x4x32x128xf32, #tpu.memory_space<vmem>>, %arg7: memref<2x4x2048xf32, #tpu.memory_space<vmem>>, %arg8: memref<!tpu.dma_semaphore, #tpu.memory_space<semaphore_mem>>, %arg9: memref<!tpu.dma_semaphore, #tpu.memory_space<semaphore_mem>>, %arg10: memref<!tpu.dma_semaphore, #tpu.memory_space<semaphore_mem>>) attributes {dimension_semantics = [#tpu.dimension_semantics<core_parallel>, #tpu.dimension_semantics<subcore_parallel>], iteration_bounds = array<i64: 2, 16>, scalar_prefetch = 0 : i64, scratch_operands = 6 : i64, tpu.core_type = #tpu.core_type<sc_vector_subcore>, window_params = [{transform_indices = #map}, {transform_indices = #map}, {transform_indices = #map1}]} {
    %mul3A = arith.constant 2 : i32
    %mul3A_0 = arith.muli %arg1, %mul3A : i32
    %add3A = arith.addi %mul3A_0, %arg0 : i32
    %mul3A_1 = arith.constant 28 : i32
    %mul3A_2 = arith.muli %add3A, %mul3A_1 : i32
    %rem3A = arith.constant 0 : i32
    %rem3A_3 = arith.constant 2 : i32
    %rem3A_4 = arith.remsi %rem3A, %rem3A_3 : i32
    %add3A_5 = arith.constant 0 : i32
    %add3A_6 = arith.addi %mul3A_2, %add3A_5 : i32
    %dma_start3A = arith.constant 0 : i32
    %dma_start3A_7 = arith.constant 0 : i32
    %dma_start3A_8 = arith.constant 0 : i32
    %dma_start3A_9 = tpu.memref_slice %arg5[%rem3A_4, %dma_start3A, %dma_start3A_7, %dma_start3A_8] : memref<2x4x32x128xf32, #tpu.memory_space<vmem>> -> memref<1x4x32x128xf32, #tpu.memory_space<vmem>>
    %dma_start3A_10 = tpu.memref_squeeze %dma_start3A_9 : memref<1x4x32x128xf32, #tpu.memory_space<vmem>> -> memref<4x32x128xf32, #tpu.memory_space<vmem>>
    %dma_start3A_11 = arith.constant 0 : i32
    %dma_start3A_12 = arith.constant 0 : i32
    %dma_start3A_13 = tpu.memref_slice %arg2[%add3A_6, %dma_start3A_11, %dma_start3A_12] : memref<2048x32x128xf32, #tpu.memory_space<hbm>> -> memref<4x32x128xf32, #tpu.memory_space<hbm>>
    %dma_start3A_14 = arith.constant 0 : i32
    %dma_start3A_15 = arith.constant 0 : i32
    %dma_start3A_16 = arith.constant 0 : i32
    %dma_start3A_17 = tpu.memref_slice %arg5[%rem3A_4, %dma_start3A_14, %dma_start3A_15, %dma_start3A_16] : memref<2x4x32x128xf32, #tpu.memory_space<vmem>> -> memref<1x4x32x128xf32, #tpu.memory_space<vmem>>
    %dma_start3A_18 = tpu.memref_squeeze %dma_start3A_17 : memref<1x4x32x128xf32, #tpu.memory_space<vmem>> -> memref<4x32x128xf32, #tpu.memory_space<vmem>>
    %dma_start3A_19 = arith.constant 0 : i32
    %dma_start3A_20 = arith.constant 0 : i32
    %dma_start3A_21 = tpu.memref_slice %arg2[%add3A_6, %dma_start3A_19, %dma_start3A_20] : memref<2048x32x128xf32, #tpu.memory_space<hbm>> -> memref<4x32x128xf32, #tpu.memory_space<hbm>>
    tpu.enqueue_dma source(%dma_start3A_21 : memref<4x32x128xf32, #tpu.memory_space<hbm>>) target(%dma_start3A_18 : memref<4x32x128xf32, #tpu.memory_space<vmem>>) target_semaphore(%arg8 : memref<!tpu.dma_semaphore, #tpu.memory_space<semaphore_mem>>)
    %dma_start3A_22 = arith.constant 0 : i32
    %dma_start3A_23 = arith.constant 0 : i32
    %dma_start3A_24 = arith.constant 0 : i32
    %dma_start3A_25 = tpu.memref_slice %arg6[%rem3A_4, %dma_start3A_22, %dma_start3A_23, %dma_start3A_24] : memref<2x4x32x128xf32, #tpu.memory_space<vmem>> -> memref<1x4x32x128xf32, #tpu.memory_space<vmem>>
    %dma_start3A_26 = tpu.memref_squeeze %dma_start3A_25 : memref<1x4x32x128xf32, #tpu.memory_space<vmem>> -> memref<4x32x128xf32, #tpu.memory_space<vmem>>
    %dma_start3A_27 = arith.constant 0 : i32
    %dma_start3A_28 = arith.constant 0 : i32
    %dma_start3A_29 = tpu.memref_slice %arg3[%add3A_6, %dma_start3A_27, %dma_start3A_28] : memref<2048x32x128xf32, #tpu.memory_space<hbm>> -> memref<4x32x128xf32, #tpu.memory_space<hbm>>
    %dma_start3A_30 = arith.constant 0 : i32
    %dma_start3A_31 = arith.constant 0 : i32
    %dma_start3A_32 = arith.constant 0 : i32
    %dma_start3A_33 = tpu.memref_slice %arg6[%rem3A_4, %dma_start3A_30, %dma_start3A_31, %dma_start3A_32] : memref<2x4x32x128xf32, #tpu.memory_space<vmem>> -> memref<1x4x32x128xf32, #tpu.memory_space<vmem>>
    %dma_start3A_34 = tpu.memref_squeeze %dma_start3A_33 : memref<1x4x32x128xf32, #tpu.memory_space<vmem>> -> memref<4x32x128xf32, #tpu.memory_space<vmem>>
    %dma_start3A_35 = arith.constant 0 : i32
    %dma_start3A_36 = arith.constant 0 : i32
    %dma_start3A_37 = tpu.memref_slice %arg3[%add3A_6, %dma_start3A_35, %dma_start3A_36] : memref<2048x32x128xf32, #tpu.memory_space<hbm>> -> memref<4x32x128xf32, #tpu.memory_space<hbm>>
    tpu.enqueue_dma source(%dma_start3A_37 : memref<4x32x128xf32, #tpu.memory_space<hbm>>) target(%dma_start3A_34 : memref<4x32x128xf32, #tpu.memory_space<vmem>>) target_semaphore(%arg9 : memref<!tpu.dma_semaphore, #tpu.memory_space<semaphore_mem>>)
    %scan3A = arith.constant 0 : i32
    %scan3A_38 = arith.constant 0 : i32
    %scan3A_39 = arith.constant 7 : i32
    %scan3A_40 = arith.addi %scan3A_38, %scan3A_39 : i32
    %scan3A_41 = arith.constant 1 : i32
    scf.for %scan3A_72 = %scan3A_38 to %scan3A_40 step %scan3A_41  : i32 {
      %add3A_73 = arith.constant 1 : i32
      %add3A_74 = arith.addi %scan3A_72, %add3A_73 : i32
      %lt3A = arith.constant 7 : i32
      %lt3A_75 = arith.cmpi slt, %add3A_74, %lt3A : i32
      %convert_element_type3A = arith.extui %lt3A_75 : i1 to i32
      %cond3A = arith.constant 0 : i32
      %cond3A_76 = arith.cmpi ne, %convert_element_type3A, %cond3A : i32
      scf.if %cond3A_76 {
        %add3A_140 = arith.constant 1 : i32
        %add3A_141 = arith.addi %scan3A_72, %add3A_140 : i32
        %rem3A_142 = arith.constant 2 : i32
        %rem3A_143 = arith.remsi %add3A_141, %rem3A_142 : i32
        %mul3A_144 = arith.constant 4 : i32
        %mul3A_145 = arith.muli %add3A_141, %mul3A_144 : i32
        %add3A_146 = arith.addi %mul3A_2, %mul3A_145 : i32
        %dma_start3A_147 = arith.constant 0 : i32
        %dma_start3A_148 = arith.constant 0 : i32
        %dma_start3A_149 = arith.constant 0 : i32
        %dma_start3A_150 = tpu.memref_slice %arg5[%rem3A_143, %dma_start3A_147, %dma_start3A_148, %dma_start3A_149] : memref<2x4x32x128xf32, #tpu.memory_space<vmem>> -> memref<1x4x32x128xf32, #tpu.memory_space<vmem>>
        %dma_start3A_151 = tpu.memref_squeeze %dma_start3A_150 : memref<1x4x32x128xf32, #tpu.memory_space<vmem>> -> memref<4x32x128xf32, #tpu.memory_space<vmem>>
        %dma_start3A_152 = arith.constant 0 : i32
        %dma_start3A_153 = arith.constant 0 : i32
        %dma_start3A_154 = tpu.memref_slice %arg2[%add3A_146, %dma_start3A_152, %dma_start3A_153] : memref<2048x32x128xf32, #tpu.memory_space<hbm>> -> memref<4x32x128xf32, #tpu.memory_space<hbm>>
        %dma_start3A_155 = arith.constant 0 : i32
        %dma_start3A_156 = arith.constant 0 : i32
        %dma_start3A_157 = arith.constant 0 : i32
        %dma_start3A_158 = tpu.memref_slice %arg5[%rem3A_143, %dma_start3A_155, %dma_start3A_156, %dma_start3A_157] : memref<2x4x32x128xf32, #tpu.memory_space<vmem>> -> memref<1x4x32x128xf32, #tpu.memory_space<vmem>>
        %dma_start3A_159 = tpu.memref_squeeze %dma_start3A_158 : memref<1x4x32x128xf32, #tpu.memory_space<vmem>> -> memref<4x32x128xf32, #tpu.memory_space<vmem>>
        %dma_start3A_160 = arith.constant 0 : i32
        %dma_start3A_161 = arith.constant 0 : i32
        %dma_start3A_162 = tpu.memref_slice %arg2[%add3A_146, %dma_start3A_160, %dma_start3A_161] : memref<2048x32x128xf32, #tpu.memory_space<hbm>> -> memref<4x32x128xf32, #tpu.memory_space<hbm>>
        tpu.enqueue_dma source(%dma_start3A_162 : memref<4x32x128xf32, #tpu.memory_space<hbm>>) target(%dma_start3A_159 : memref<4x32x128xf32, #tpu.memory_space<vmem>>) target_semaphore(%arg8 : memref<!tpu.dma_semaphore, #tpu.memory_space<semaphore_mem>>)
        %dma_start3A_163 = arith.constant 0 : i32
        %dma_start3A_164 = arith.constant 0 : i32
        %dma_start3A_165 = arith.constant 0 : i32
        %dma_start3A_166 = tpu.memref_slice %arg6[%rem3A_143, %dma_start3A_163, %dma_start3A_164, %dma_start3A_165] : memref<2x4x32x128xf32, #tpu.memory_space<vmem>> -> memref<1x4x32x128xf32, #tpu.memory_space<vmem>>
        %dma_start3A_167 = tpu.memref_squeeze %dma_start3A_166 : memref<1x4x32x128xf32, #tpu.memory_space<vmem>> -> memref<4x32x128xf32, #tpu.memory_space<vmem>>
        %dma_start3A_168 = arith.constant 0 : i32
        %dma_start3A_169 = arith.constant 0 : i32
        %dma_start3A_170 = tpu.memref_slice %arg3[%add3A_146, %dma_start3A_168, %dma_start3A_169] : memref<2048x32x128xf32, #tpu.memory_space<hbm>> -> memref<4x32x128xf32, #tpu.memory_space<hbm>>
        %dma_start3A_171 = arith.constant 0 : i32
        %dma_start3A_172 = arith.constant 0 : i32
        %dma_start3A_173 = arith.constant 0 : i32
        %dma_start3A_174 = tpu.memref_slice %arg6[%rem3A_143, %dma_start3A_171, %dma_start3A_172, %dma_start3A_173] : memref<2x4x32x128xf32, #tpu.memory_space<vmem>> -> memref<1x4x32x128xf32, #tpu.memory_space<vmem>>
        %dma_start3A_175 = tpu.memref_squeeze %dma_start3A_174 : memref<1x4x32x128xf32, #tpu.memory_space<vmem>> -> memref<4x32x128xf32, #tpu.memory_space<vmem>>
        %dma_start3A_176 = arith.constant 0 : i32
        %dma_start3A_177 = arith.constant 0 : i32
        %dma_start3A_178 = tpu.memref_slice %arg3[%add3A_146, %dma_start3A_176, %dma_start3A_177] : memref<2048x32x128xf32, #tpu.memory_space<hbm>> -> memref<4x32x128xf32, #tpu.memory_space<hbm>>
        tpu.enqueue_dma source(%dma_start3A_178 : memref<4x32x128xf32, #tpu.memory_space<hbm>>) target(%dma_start3A_175 : memref<4x32x128xf32, #tpu.memory_space<vmem>>) target_semaphore(%arg9 : memref<!tpu.dma_semaphore, #tpu.memory_space<semaphore_mem>>)
      } else {
      }
      %dma_wait3A_77 = arith.constant 0 : i32
      %dma_wait3A_78 = arith.constant 0 : i32
      %dma_wait3A_79 = arith.constant 0 : i32
      %dma_wait3A_80 = arith.constant 0 : i32
      %dma_wait3A_81 = tpu.memref_slice %arg5[%dma_wait3A_77, %dma_wait3A_78, %dma_wait3A_79, %dma_wait3A_80] : memref<2x4x32x128xf32, #tpu.memory_space<vmem>> -> memref<1x4x32x128xf32, #tpu.memory_space<vmem>>
      %dma_wait3A_82 = tpu.memref_squeeze %dma_wait3A_81 : memref<1x4x32x128xf32, #tpu.memory_space<vmem>> -> memref<4x32x128xf32, #tpu.memory_space<vmem>>
      %dma_wait3A_83 = arith.constant 0 : i32
      %dma_wait3A_84 = arith.constant 0 : i32
      %dma_wait3A_85 = arith.constant 0 : i32
      %dma_wait3A_86 = tpu.memref_slice %arg2[%dma_wait3A_83, %dma_wait3A_84, %dma_wait3A_85] : memref<2048x32x128xf32, #tpu.memory_space<hbm>> -> memref<4x32x128xf32, #tpu.memory_space<hbm>>
      %dma_wait3A_87 = arith.constant 0 : i32
      %dma_wait3A_88 = arith.constant 0 : i32
      %dma_wait3A_89 = arith.constant 0 : i32
      %dma_wait3A_90 = tpu.memref_slice %arg5[%dma_wait3A_77, %dma_wait3A_87, %dma_wait3A_88, %dma_wait3A_89] : memref<2x4x32x128xf32, #tpu.memory_space<vmem>> -> memref<1x4x32x128xf32, #tpu.memory_space<vmem>>
      %dma_wait3A_91 = tpu.memref_squeeze %dma_wait3A_90 : memref<1x4x32x128xf32, #tpu.memory_space<vmem>> -> memref<4x32x128xf32, #tpu.memory_space<vmem>>
      %dma_wait3A_92 = arith.constant 0 : i32
      %dma_wait3A_93 = arith.constant 0 : i32
      %dma_wait3A_94 = arith.constant 0 : i32
      %dma_wait3A_95 = tpu.memref_slice %arg2[%dma_wait3A_92, %dma_wait3A_93, %dma_wait3A_94] : memref<2048x32x128xf32, #tpu.memory_space<hbm>> -> memref<4x32x128xf32, #tpu.memory_space<hbm>>
      tpu.wait_dma2 semaphore(%arg8 : memref<!tpu.dma_semaphore, #tpu.memory_space<semaphore_mem>>) src(%dma_wait3A_95 : memref<4x32x128xf32, #tpu.memory_space<hbm>>) dst(%dma_wait3A_91 : memref<4x32x128xf32, #tpu.memory_space<vmem>>)
      %dma_wait3A_96 = arith.constant 0 : i32
      %dma_wait3A_97 = arith.constant 0 : i32
      %dma_wait3A_98 = arith.constant 0 : i32
      %dma_wait3A_99 = arith.constant 0 : i32
      %dma_wait3A_100 = tpu.memref_slice %arg6[%dma_wait3A_96, %dma_wait3A_97, %dma_wait3A_98, %dma_wait3A_99] : memref<2x4x32x128xf32, #tpu.memory_space<vmem>> -> memref<1x4x32x128xf32, #tpu.memory_space<vmem>>
      %dma_wait3A_101 = tpu.memref_squeeze %dma_wait3A_100 : memref<1x4x32x128xf32, #tpu.memory_space<vmem>> -> memref<4x32x128xf32, #tpu.memory_space<vmem>>
      %dma_wait3A_102 = arith.constant 0 : i32
      %dma_wait3A_103 = arith.constant 0 : i32
      %dma_wait3A_104 = arith.constant 0 : i32
      %dma_wait3A_105 = tpu.memref_slice %arg3[%dma_wait3A_102, %dma_wait3A_103, %dma_wait3A_104] : memref<2048x32x128xf32, #tpu.memory_space<hbm>> -> memref<4x32x128xf32, #tpu.memory_space<hbm>>
      %dma_wait3A_106 = arith.constant 0 : i32
      %dma_wait3A_107 = arith.constant 0 : i32
      %dma_wait3A_108 = arith.constant 0 : i32
      %dma_wait3A_109 = tpu.memref_slice %arg6[%dma_wait3A_96, %dma_wait3A_106, %dma_wait3A_107, %dma_wait3A_108] : memref<2x4x32x128xf32, #tpu.memory_space<vmem>> -> memref<1x4x32x128xf32, #tpu.memory_space<vmem>>
      %dma_wait3A_110 = tpu.memref_squeeze %dma_wait3A_109 : memref<1x4x32x128xf32, #tpu.memory_space<vmem>> -> memref<4x32x128xf32, #tpu.memory_space<vmem>>
      %dma_wait3A_111 = arith.constant 0 : i32
      %dma_wait3A_112 = arith.constant 0 : i32
      %dma_wait3A_113 = arith.constant 0 : i32
      %dma_wait3A_114 = tpu.memref_slice %arg3[%dma_wait3A_111, %dma_wait3A_112, %dma_wait3A_113] : memref<2048x32x128xf32, #tpu.memory_space<hbm>> -> memref<4x32x128xf32, #tpu.memory_space<hbm>>
      tpu.wait_dma2 semaphore(%arg9 : memref<!tpu.dma_semaphore, #tpu.memory_space<semaphore_mem>>) src(%dma_wait3A_114 : memref<4x32x128xf32, #tpu.memory_space<hbm>>) dst(%dma_wait3A_110 : memref<4x32x128xf32, #tpu.memory_space<vmem>>)
      %ge3A = arith.constant 2 : i32
      %ge3A_115 = arith.cmpi sge, %scan3A_72, %ge3A : i32
      %convert_element_type3A_116 = arith.extui %ge3A_115 : i1 to i32
      %cond3A_117 = arith.constant 0 : i32
      %cond3A_118 = arith.cmpi ne, %convert_element_type3A_116, %cond3A_117 : i32
      scf.if %cond3A_118 {
        %dma_wait3A_140 = arith.constant 0 : i32
        %dma_wait3A_141 = arith.constant 0 : i32
        %dma_wait3A_142 = arith.constant 0 : i32
        %dma_wait3A_143 = tpu.memref_slice %arg7[%dma_wait3A_140, %dma_wait3A_141, %dma_wait3A_142] : memref<2x4x2048xf32, #tpu.memory_space<vmem>> -> memref<1x4x2048xf32, #tpu.memory_space<vmem>>
        %dma_wait3A_144 = tpu.memref_squeeze %dma_wait3A_143 : memref<1x4x2048xf32, #tpu.memory_space<vmem>> -> memref<4x2048xf32, #tpu.memory_space<vmem>>
        %dma_wait3A_145 = arith.constant 0 : i32
        %dma_wait3A_146 = arith.constant 0 : i32
        %dma_wait3A_147 = tpu.memref_slice %arg4[%dma_wait3A_145, %dma_wait3A_146] : memref<896x2048xf32, #tpu.memory_space<hbm>> -> memref<4x2048xf32, #tpu.memory_space<hbm>>
        %dma_wait3A_148 = arith.constant 0 : i32
        %dma_wait3A_149 = arith.constant 0 : i32
        %dma_wait3A_150 = tpu.memref_slice %arg4[%dma_wait3A_148, %dma_wait3A_149] : memref<896x2048xf32, #tpu.memory_space<hbm>> -> memref<4x2048xf32, #tpu.memory_space<hbm>>
        %dma_wait3A_151 = arith.constant 0 : i32
        %dma_wait3A_152 = arith.constant 0 : i32
        %dma_wait3A_153 = tpu.memref_slice %arg7[%dma_wait3A_140, %dma_wait3A_151, %dma_wait3A_152] : memref<2x4x2048xf32, #tpu.memory_space<vmem>> -> memref<1x4x2048xf32, #tpu.memory_space<vmem>>
        %dma_wait3A_154 = tpu.memref_squeeze %dma_wait3A_153 : memref<1x4x2048xf32, #tpu.memory_space<vmem>> -> memref<4x2048xf32, #tpu.memory_space<vmem>>
        tpu.wait_dma2 semaphore(%arg10 : memref<!tpu.dma_semaphore, #tpu.memory_space<semaphore_mem>>) src(%dma_wait3A_154 : memref<4x2048xf32, #tpu.memory_space<vmem>>) dst(%dma_wait3A_150 : memref<4x2048xf32, #tpu.memory_space<hbm>>)
      } else {
      }
      %rem3A_119 = arith.constant 2 : i32
      %rem3A_120 = arith.remsi %scan3A_72, %rem3A_119 : i32
      %parallel_loop3A = arith.constant 0 : i32
      %parallel_loop3A_121 = arith.constant 512 : i32
      %parallel_loop3A_122 = arith.constant 1 : i32
      scf.for %parallel_loop3A_140 = %parallel_loop3A to %parallel_loop3A_121 step %parallel_loop3A_122  : i32 {
        %parallel_loop3A_141 = arith.constant 7 : i32
        %parallel_loop3A_142 = arith.shrui %parallel_loop3A_140, %parallel_loop3A_141 : i32
        %parallel_loop3A_143 = arith.constant 127 : i32
        %parallel_loop3A_144 = arith.andi %parallel_loop3A_140, %parallel_loop3A_143 : i32
        %parallel_loop3A_145 = arith.constant 3 : i32
        %parallel_loop3A_146 = arith.shrui %parallel_loop3A_144, %parallel_loop3A_145 : i32
        %parallel_loop3A_147 = arith.constant 2 : i32
        %parallel_loop3A_148 = arith.muli %parallel_loop3A_146, %parallel_loop3A_147 : i32
        %parallel_loop3A_149 = arith.constant 7 : i32
        %parallel_loop3A_150 = arith.andi %parallel_loop3A_144, %parallel_loop3A_149 : i32
        %parallel_loop3A_151 = arith.constant 16 : i32
        %parallel_loop3A_152 = arith.muli %parallel_loop3A_150, %parallel_loop3A_151 : i32
        %parallel_loop3A_153 = arith.index_cast %rem3A_120 : i32 to index
        %parallel_loop3A_154 = arith.index_cast %parallel_loop3A_142 : i32 to index
        %parallel_loop3A_155 = arith.index_cast %parallel_loop3A_148 : i32 to index
        %parallel_loop3A_156 = arith.index_cast %parallel_loop3A_152 : i32 to index
        %parallel_loop3A_157 = tpu.vector_load %arg5[%parallel_loop3A_153, %parallel_loop3A_154, %parallel_loop3A_155, %parallel_loop3A_156] {strides = array<i32>} : memref<2x4x32x128xf32, #tpu.memory_space<vmem>>, vector<1x1x1x16xf32>,
        %parallel_loop3A_158 = vector.shape_cast %parallel_loop3A_157 : vector<1x1x1x16xf32> to vector<16xf32>
        %parallel_loop3A_159 = arith.constant 1 : i32
        %parallel_loop3A_160 = arith.addi %parallel_loop3A_148, %parallel_loop3A_159 : i32
        %parallel_loop3A_161 = arith.index_cast %rem3A_120 : i32 to index
        %parallel_loop3A_162 = arith.index_cast %parallel_loop3A_142 : i32 to index
        %parallel_loop3A_163 = arith.index_cast %parallel_loop3A_160 : i32 to index
        %parallel_loop3A_164 = arith.index_cast %parallel_loop3A_152 : i32 to index
        %parallel_loop3A_165 = tpu.vector_load %arg5[%parallel_loop3A_161, %parallel_loop3A_162, %parallel_loop3A_163, %parallel_loop3A_164] {strides = array<i32>} : memref<2x4x32x128xf32, #tpu.memory_space<vmem>>, vector<1x1x1x16xf32>,
        %parallel_loop3A_166 = vector.shape_cast %parallel_loop3A_165 : vector<1x1x1x16xf32> to vector<16xf32>
        %parallel_loop3A_167 = arith.index_cast %rem3A_120 : i32 to index
        %parallel_loop3A_168 = arith.index_cast %parallel_loop3A_142 : i32 to index
        %parallel_loop3A_169 = arith.index_cast %parallel_loop3A_148 : i32 to index
        %parallel_loop3A_170 = arith.index_cast %parallel_loop3A_152 : i32 to index
        %parallel_loop3A_171 = tpu.vector_load %arg6[%parallel_loop3A_167, %parallel_loop3A_168, %parallel_loop3A_169, %parallel_loop3A_170] {strides = array<i32>} : memref<2x4x32x128xf32, #tpu.memory_space<vmem>>, vector<1x1x1x16xf32>,
        %parallel_loop3A_172 = vector.shape_cast %parallel_loop3A_171 : vector<1x1x1x16xf32> to vector<16xf32>
        %parallel_loop3A_173 = arith.constant 1 : i32
        %parallel_loop3A_174 = arith.addi %parallel_loop3A_148, %parallel_loop3A_173 : i32
        %parallel_loop3A_175 = arith.index_cast %rem3A_120 : i32 to index
        %parallel_loop3A_176 = arith.index_cast %parallel_loop3A_142 : i32 to index
        %parallel_loop3A_177 = arith.index_cast %parallel_loop3A_174 : i32 to index
        %parallel_loop3A_178 = arith.index_cast %parallel_loop3A_152 : i32 to index
        %parallel_loop3A_179 = tpu.vector_load %arg6[%parallel_loop3A_175, %parallel_loop3A_176, %parallel_loop3A_177, %parallel_loop3A_178] {strides = array<i32>} : memref<2x4x32x128xf32, #tpu.memory_space<vmem>>, vector<1x1x1x16xf32>,
        %parallel_loop3A_180 = vector.shape_cast %parallel_loop3A_179 : vector<1x1x1x16xf32> to vector<16xf32>
        %parallel_loop3A_181 = tpu.bitcast %parallel_loop3A_172 : vector<16xf32> -> vector<16xi32>
        %parallel_loop3A_182 = arith.constant 23 : i32
        %parallel_loop3A_183 = vector.broadcast %parallel_loop3A_182 : i32 to vector<16xi32>
        %parallel_loop3A_184 = arith.shrsi %parallel_loop3A_181, %parallel_loop3A_183 : vector<16xi32>
        %parallel_loop3A_185 = arith.constant 127 : i32
        %parallel_loop3A_186 = vector.broadcast %parallel_loop3A_185 : i32 to vector<16xi32>
        %parallel_loop3A_187 = arith.subi %parallel_loop3A_184, %parallel_loop3A_186 : vector<16xi32>
        %parallel_loop3A_188 = arith.constant 8388607 : i32
        %parallel_loop3A_189 = vector.broadcast %parallel_loop3A_188 : i32 to vector<16xi32>
        %parallel_loop3A_190 = arith.andi %parallel_loop3A_181, %parallel_loop3A_189 : vector<16xi32>
        %parallel_loop3A_191 = arith.constant 1065353216 : i32
        %parallel_loop3A_192 = vector.broadcast %parallel_loop3A_191 : i32 to vector<16xi32>
        %parallel_loop3A_193 = arith.ori %parallel_loop3A_190, %parallel_loop3A_192 : vector<16xi32>
        %parallel_loop3A_194 = tpu.bitcast %parallel_loop3A_193 : vector<16xi32> -> vector<16xf32>
        %parallel_loop3A_195 = arith.constant 1.000000e+00 : f32
        %parallel_loop3A_196 = vector.broadcast %parallel_loop3A_195 : f32 to vector<16xf32>
        %parallel_loop3A_197 = arith.subf %parallel_loop3A_194, %parallel_loop3A_196 : vector<16xf32>
        %parallel_loop3A_198 = arith.constant -0.00600660499 : f32
        %parallel_loop3A_199 = vector.broadcast %parallel_loop3A_198 : f32 to vector<16xf32>
        %parallel_loop3A_200 = arith.mulf %parallel_loop3A_197, %parallel_loop3A_199 : vector<16xf32>
        %parallel_loop3A_201 = arith.constant 3.426460e-02 : f32
        %parallel_loop3A_202 = vector.broadcast %parallel_loop3A_201 : f32 to vector<16xf32>
        %parallel_loop3A_203 = arith.addf %parallel_loop3A_202, %parallel_loop3A_200 : vector<16xf32>
        %parallel_loop3A_204 = arith.mulf %parallel_loop3A_197, %parallel_loop3A_203 : vector<16xf32>
        %parallel_loop3A_205 = arith.constant -0.0922904164 : f32
        %parallel_loop3A_206 = vector.broadcast %parallel_loop3A_205 : f32 to vector<16xf32>
        %parallel_loop3A_207 = arith.addf %parallel_loop3A_206, %parallel_loop3A_204 : vector<16xf32>
        %parallel_loop3A_208 = arith.mulf %parallel_loop3A_197, %parallel_loop3A_207 : vector<16xf32>
        %parallel_loop3A_209 = arith.constant 0.164998129 : f32
        %parallel_loop3A_210 = vector.broadcast %parallel_loop3A_209 : f32 to vector<16xf32>
        %parallel_loop3A_211 = arith.addf %parallel_loop3A_210, %parallel_loop3A_208 : vector<16xf32>
        %parallel_loop3A_212 = arith.mulf %parallel_loop3A_197, %parallel_loop3A_211 : vector<16xf32>
        %parallel_loop3A_213 = arith.constant -0.239433378 : f32
        %parallel_loop3A_214 = vector.broadcast %parallel_loop3A_213 : f32 to vector<16xf32>
        %parallel_loop3A_215 = arith.addf %parallel_loop3A_214, %parallel_loop3A_212 : vector<16xf32>
        %parallel_loop3A_216 = arith.mulf %parallel_loop3A_197, %parallel_loop3A_215 : vector<16xf32>
        %parallel_loop3A_217 = arith.constant 0.331446648 : f32
        %parallel_loop3A_218 = vector.broadcast %parallel_loop3A_217 : f32 to vector<16xf32>
        %parallel_loop3A_219 = arith.addf %parallel_loop3A_218, %parallel_loop3A_216 : vector<16xf32>
        %parallel_loop3A_220 = arith.mulf %parallel_loop3A_197, %parallel_loop3A_219 : vector<16xf32>
        %parallel_loop3A_221 = arith.constant -0.499825507 : f32
        %parallel_loop3A_222 = vector.broadcast %parallel_loop3A_221 : f32 to vector<16xf32>
        %parallel_loop3A_223 = arith.addf %parallel_loop3A_222, %parallel_loop3A_220 : vector<16xf32>
        %parallel_loop3A_224 = arith.mulf %parallel_loop3A_197, %parallel_loop3A_223 : vector<16xf32>
        %parallel_loop3A_225 = arith.constant 0.999993622 : f32
        %parallel_loop3A_226 = vector.broadcast %parallel_loop3A_225 : f32 to vector<16xf32>
        %parallel_loop3A_227 = arith.addf %parallel_loop3A_226, %parallel_loop3A_224 : vector<16xf32>
        %parallel_loop3A_228 = arith.sitofp %parallel_loop3A_187 : vector<16xi32> to vector<16xf32>
        %parallel_loop3A_229 = arith.constant 0.693147182 : f32
        %parallel_loop3A_230 = vector.broadcast %parallel_loop3A_229 : f32 to vector<16xf32>
        %parallel_loop3A_231 = arith.mulf %parallel_loop3A_228, %parallel_loop3A_230 : vector<16xf32>
        %parallel_loop3A_232 = arith.mulf %parallel_loop3A_197, %parallel_loop3A_227 : vector<16xf32>
        %parallel_loop3A_233 = arith.addf %parallel_loop3A_231, %parallel_loop3A_232 : vector<16xf32>
        %parallel_loop3A_234 = tpu.bitcast %parallel_loop3A_180 : vector<16xf32> -> vector<16xi32>
        %parallel_loop3A_235 = arith.constant 23 : i32
        %parallel_loop3A_236 = vector.broadcast %parallel_loop3A_235 : i32 to vector<16xi32>
        %parallel_loop3A_237 = arith.shrsi %parallel_loop3A_234, %parallel_loop3A_236 : vector<16xi32>
        %parallel_loop3A_238 = arith.constant 127 : i32
        %parallel_loop3A_239 = vector.broadcast %parallel_loop3A_238 : i32 to vector<16xi32>
        %parallel_loop3A_240 = arith.subi %parallel_loop3A_237, %parallel_loop3A_239 : vector<16xi32>
        %parallel_loop3A_241 = arith.constant 8388607 : i32
        %parallel_loop3A_242 = vector.broadcast %parallel_loop3A_241 : i32 to vector<16xi32>
        %parallel_loop3A_243 = arith.andi %parallel_loop3A_234, %parallel_loop3A_242 : vector<16xi32>
        %parallel_loop3A_244 = arith.constant 1065353216 : i32
        %parallel_loop3A_245 = vector.broadcast %parallel_loop3A_244 : i32 to vector<16xi32>
        %parallel_loop3A_246 = arith.ori %parallel_loop3A_243, %parallel_loop3A_245 : vector<16xi32>
        %parallel_loop3A_247 = tpu.bitcast %parallel_loop3A_246 : vector<16xi32> -> vector<16xf32>
        %parallel_loop3A_248 = arith.constant 1.000000e+00 : f32
        %parallel_loop3A_249 = vector.broadcast %parallel_loop3A_248 : f32 to vector<16xf32>
        %parallel_loop3A_250 = arith.subf %parallel_loop3A_247, %parallel_loop3A_249 : vector<16xf32>
        %parallel_loop3A_251 = arith.constant -0.00600660499 : f32
        %parallel_loop3A_252 = vector.broadcast %parallel_loop3A_251 : f32 to vector<16xf32>
        %parallel_loop3A_253 = arith.mulf %parallel_loop3A_250, %parallel_loop3A_252 : vector<16xf32>
        %parallel_loop3A_254 = arith.constant 3.426460e-02 : f32
        %parallel_loop3A_255 = vector.broadcast %parallel_loop3A_254 : f32 to vector<16xf32>
        %parallel_loop3A_256 = arith.addf %parallel_loop3A_255, %parallel_loop3A_253 : vector<16xf32>
        %parallel_loop3A_257 = arith.mulf %parallel_loop3A_250, %parallel_loop3A_256 : vector<16xf32>
        %parallel_loop3A_258 = arith.constant -0.0922904164 : f32
        %parallel_loop3A_259 = vector.broadcast %parallel_loop3A_258 : f32 to vector<16xf32>
        %parallel_loop3A_260 = arith.addf %parallel_loop3A_259, %parallel_loop3A_257 : vector<16xf32>
        %parallel_loop3A_261 = arith.mulf %parallel_loop3A_250, %parallel_loop3A_260 : vector<16xf32>
        %parallel_loop3A_262 = arith.constant 0.164998129 : f32
        %parallel_loop3A_263 = vector.broadcast %parallel_loop3A_262 : f32 to vector<16xf32>
        %parallel_loop3A_264 = arith.addf %parallel_loop3A_263, %parallel_loop3A_261 : vector<16xf32>
        %parallel_loop3A_265 = arith.mulf %parallel_loop3A_250, %parallel_loop3A_264 : vector<16xf32>
        %parallel_loop3A_266 = arith.constant -0.239433378 : f32
        %parallel_loop3A_267 = vector.broadcast %parallel_loop3A_266 : f32 to vector<16xf32>
        %parallel_loop3A_268 = arith.addf %parallel_loop3A_267, %parallel_loop3A_265 : vector<16xf32>
        %parallel_loop3A_269 = arith.mulf %parallel_loop3A_250, %parallel_loop3A_268 : vector<16xf32>
        %parallel_loop3A_270 = arith.constant 0.331446648 : f32
        %parallel_loop3A_271 = vector.broadcast %parallel_loop3A_270 : f32 to vector<16xf32>
        %parallel_loop3A_272 = arith.addf %parallel_loop3A_271, %parallel_loop3A_269 : vector<16xf32>
        %parallel_loop3A_273 = arith.mulf %parallel_loop3A_250, %parallel_loop3A_272 : vector<16xf32>
        %parallel_loop3A_274 = arith.constant -0.499825507 : f32
        %parallel_loop3A_275 = vector.broadcast %parallel_loop3A_274 : f32 to vector<16xf32>
        %parallel_loop3A_276 = arith.addf %parallel_loop3A_275, %parallel_loop3A_273 : vector<16xf32>
        %parallel_loop3A_277 = arith.mulf %parallel_loop3A_250, %parallel_loop3A_276 : vector<16xf32>
        %parallel_loop3A_278 = arith.constant 0.999993622 : f32
        %parallel_loop3A_279 = vector.broadcast %parallel_loop3A_278 : f32 to vector<16xf32>
        %parallel_loop3A_280 = arith.addf %parallel_loop3A_279, %parallel_loop3A_277 : vector<16xf32>
        %parallel_loop3A_281 = arith.sitofp %parallel_loop3A_240 : vector<16xi32> to vector<16xf32>
        %parallel_loop3A_282 = arith.constant 0.693147182 : f32
        %parallel_loop3A_283 = vector.broadcast %parallel_loop3A_282 : f32 to vector<16xf32>
        %parallel_loop3A_284 = arith.mulf %parallel_loop3A_281, %parallel_loop3A_283 : vector<16xf32>
        %parallel_loop3A_285 = arith.mulf %parallel_loop3A_250, %parallel_loop3A_280 : vector<16xf32>
        %parallel_loop3A_286 = arith.addf %parallel_loop3A_284, %parallel_loop3A_285 : vector<16xf32>
        %parallel_loop3A_287 = arith.divf %parallel_loop3A_233, %parallel_loop3A_286 : vector<16xf32>
        %parallel_loop3A_288 = tpu.bitcast %parallel_loop3A_287 : vector<16xf32> -> vector<16xi32>
        %parallel_loop3A_289 = arith.constant 23 : i32
        %parallel_loop3A_290 = vector.broadcast %parallel_loop3A_289 : i32 to vector<16xi32>
        %parallel_loop3A_291 = arith.shrsi %parallel_loop3A_288, %parallel_loop3A_290 : vector<16xi32>
        %parallel_loop3A_292 = arith.constant 127 : i32
        %parallel_loop3A_293 = vector.broadcast %parallel_loop3A_292 : i32 to vector<16xi32>
        %parallel_loop3A_294 = arith.subi %parallel_loop3A_291, %parallel_loop3A_293 : vector<16xi32>
        %parallel_loop3A_295 = arith.constant 8388607 : i32
        %parallel_loop3A_296 = vector.broadcast %parallel_loop3A_295 : i32 to vector<16xi32>
        %parallel_loop3A_297 = arith.andi %parallel_loop3A_288, %parallel_loop3A_296 : vector<16xi32>
        %parallel_loop3A_298 = arith.constant 1065353216 : i32
        %parallel_loop3A_299 = vector.broadcast %parallel_loop3A_298 : i32 to vector<16xi32>
        %parallel_loop3A_300 = arith.ori %parallel_loop3A_297, %parallel_loop3A_299 : vector<16xi32>
        %parallel_loop3A_301 = tpu.bitcast %parallel_loop3A_300 : vector<16xi32> -> vector<16xf32>
        %parallel_loop3A_302 = arith.constant 1.000000e+00 : f32
        %parallel_loop3A_303 = vector.broadcast %parallel_loop3A_302 : f32 to vector<16xf32>
        %parallel_loop3A_304 = arith.subf %parallel_loop3A_301, %parallel_loop3A_303 : vector<16xf32>
        %parallel_loop3A_305 = arith.constant 0.0298087653 : f32
        %parallel_loop3A_306 = vector.broadcast %parallel_loop3A_305 : f32 to vector<16xf32>
        %parallel_loop3A_307 = arith.mulf %parallel_loop3A_304, %parallel_loop3A_306 : vector<16xf32>
        %parallel_loop3A_308 = arith.constant -0.129957199 : f32
        %parallel_loop3A_309 = vector.broadcast %parallel_loop3A_308 : f32 to vector<16xf32>
        %parallel_loop3A_310 = arith.addf %parallel_loop3A_309, %parallel_loop3A_307 : vector<16xf32>
        %parallel_loop3A_311 = arith.mulf %parallel_loop3A_304, %parallel_loop3A_310 : vector<16xf32>
        %parallel_loop3A_312 = arith.constant 0.283823192 : f32
        %parallel_loop3A_313 = vector.broadcast %parallel_loop3A_312 : f32 to vector<16xf32>
        %parallel_loop3A_314 = arith.addf %parallel_loop3A_313, %parallel_loop3A_311 : vector<16xf32>
        %parallel_loop3A_315 = arith.mulf %parallel_loop3A_304, %parallel_loop3A_314 : vector<16xf32>
        %parallel_loop3A_316 = arith.constant -0.489699095 : f32
        %parallel_loop3A_317 = vector.broadcast %parallel_loop3A_316 : f32 to vector<16xf32>
        %parallel_loop3A_318 = arith.addf %parallel_loop3A_317, %parallel_loop3A_315 : vector<16xf32>
        %parallel_loop3A_319 = arith.mulf %parallel_loop3A_304, %parallel_loop3A_318 : vector<16xf32>
        %parallel_loop3A_320 = arith.constant 0.999166429 : f32
        %parallel_loop3A_321 = vector.broadcast %parallel_loop3A_320 : f32 to vector<16xf32>
        %parallel_loop3A_322 = arith.addf %parallel_loop3A_321, %parallel_loop3A_319 : vector<16xf32>
        %parallel_loop3A_323 = arith.sitofp %parallel_loop3A_294 : vector<16xi32> to vector<16xf32>
        %parallel_loop3A_324 = arith.constant 0.693147182 : f32
        %parallel_loop3A_325 = vector.broadcast %parallel_loop3A_324 : f32 to vector<16xf32>
        %parallel_loop3A_326 = arith.mulf %parallel_loop3A_323, %parallel_loop3A_325 : vector<16xf32>
        %parallel_loop3A_327 = arith.mulf %parallel_loop3A_304, %parallel_loop3A_322 : vector<16xf32>
        %parallel_loop3A_328 = arith.addf %parallel_loop3A_326, %parallel_loop3A_327 : vector<16xf32>
        %parallel_loop3A_329 = arith.subf %parallel_loop3A_166, %parallel_loop3A_158 : vector<16xf32>
        %parallel_loop3A_330 = arith.addf %parallel_loop3A_329, %parallel_loop3A_328 : vector<16xf32>
        %parallel_loop3A_331 = arith.constant 1.000000e-01 : f32
        %parallel_loop3A_332 = vector.broadcast %parallel_loop3A_331 : f32 to vector<16xf32>
        %parallel_loop3A_333 = arith.mulf %parallel_loop3A_330, %parallel_loop3A_332 : vector<16xf32>
        %parallel_loop3A_334 = math.exp %parallel_loop3A_333 : vector<16xf32>
        %parallel_loop3A_335 = arith.constant 1.000000e+00 : f32
        %parallel_loop3A_336 = vector.broadcast %parallel_loop3A_335 : f32 to vector<16xf32>
        %parallel_loop3A_337 = arith.addf %parallel_loop3A_336, %parallel_loop3A_334 : vector<16xf32>
        %parallel_loop3A_338 = arith.constant 1.000000e+00 : f32
        %parallel_loop3A_339 = vector.broadcast %parallel_loop3A_338 : f32 to vector<16xf32>
        %parallel_loop3A_340 = arith.divf %parallel_loop3A_339, %parallel_loop3A_337 : vector<16xf32>
        %parallel_loop3A_341 = arith.constant 16 : i32
        %parallel_loop3A_342 = arith.muli %parallel_loop3A_144, %parallel_loop3A_341 : i32
        %parallel_loop3A_343 = arith.index_cast %rem3A_120 : i32 to index
        %parallel_loop3A_344 = arith.index_cast %parallel_loop3A_142 : i32 to index
        %parallel_loop3A_345 = arith.index_cast %parallel_loop3A_342 : i32 to index
        %parallel_loop3A_346 = tpu.vector_load %arg7[%parallel_loop3A_343, %parallel_loop3A_344, %parallel_loop3A_345] {strides = array<i32>} : memref<2x4x2048xf32, #tpu.memory_space<vmem>>, vector<1x1x16xf32>,
        %parallel_loop3A_347 = vector.shape_cast %parallel_loop3A_346 : vector<1x1x16xf32> to vector<16xf32>
        %parallel_loop3A_348 = vector.shape_cast %parallel_loop3A_340 : vector<16xf32> to vector<1x1x16xf32>
        tpu.vector_store %arg7[%parallel_loop3A_343, %parallel_loop3A_344, %parallel_loop3A_345], %parallel_loop3A_348 {strides = array<i32>} : memref<2x4x2048xf32, #tpu.memory_space<vmem>>, vector<1x1x16xf32>,
      } {sc.loop_unroll_factor = 4 : i64, sc.parallel_access}
      %rem3A_123 = arith.constant 2 : i32
      %rem3A_124 = arith.remsi %scan3A_72, %rem3A_123 : i32
      %mul3A_125 = arith.constant 4 : i32
      %mul3A_126 = arith.muli %scan3A_72, %mul3A_125 : i32
      %add3A_127 = arith.addi %mul3A_2, %mul3A_126 : i32
      %dma_start3A_128 = arith.constant 0 : i32
      %dma_start3A_129 = arith.constant 0 : i32
      %dma_start3A_130 = tpu.memref_slice %arg7[%rem3A_124, %dma_start3A_128, %dma_start3A_129] : memref<2x4x2048xf32, #tpu.memory_space<vmem>> -> memref<1x4x2048xf32, #tpu.memory_space<vmem>>
      %dma_start3A_131 = tpu.memref_squeeze %dma_start3A_130 : memref<1x4x2048xf32, #tpu.memory_space<vmem>> -> memref<4x2048xf32, #tpu.memory_space<vmem>>
      %dma_start3A_132 = arith.constant 0 : i32
      %dma_start3A_133 = tpu.memref_slice %arg4[%add3A_127, %dma_start3A_132] : memref<896x2048xf32, #tpu.memory_space<hbm>> -> memref<4x2048xf32, #tpu.memory_space<hbm>>
      %dma_start3A_134 = arith.constant 0 : i32
      %dma_start3A_135 = tpu.memref_slice %arg4[%add3A_127, %dma_start3A_134] : memref<896x2048xf32, #tpu.memory_space<hbm>> -> memref<4x2048xf32, #tpu.memory_space<hbm>>
      %dma_start3A_136 = arith.constant 0 : i32
      %dma_start3A_137 = arith.constant 0 : i32
      %dma_start3A_138 = tpu.memref_slice %arg7[%rem3A_124, %dma_start3A_136, %dma_start3A_137] : memref<2x4x2048xf32, #tpu.memory_space<vmem>> -> memref<1x4x2048xf32, #tpu.memory_space<vmem>>
      %dma_start3A_139 = tpu.memref_squeeze %dma_start3A_138 : memref<1x4x2048xf32, #tpu.memory_space<vmem>> -> memref<4x2048xf32, #tpu.memory_space<vmem>>
      tpu.enqueue_dma source(%dma_start3A_139 : memref<4x2048xf32, #tpu.memory_space<vmem>>) target(%dma_start3A_135 : memref<4x2048xf32, #tpu.memory_space<hbm>>) target_semaphore(%arg10 : memref<!tpu.dma_semaphore, #tpu.memory_space<semaphore_mem>>)
    }
    %scan3A_42 = arith.constant 7 : i32
    %dma_wait3A = arith.constant 0 : i32
    %dma_wait3A_43 = arith.constant 0 : i32
    %dma_wait3A_44 = arith.constant 0 : i32
    %dma_wait3A_45 = tpu.memref_slice %arg7[%dma_wait3A, %dma_wait3A_43, %dma_wait3A_44] : memref<2x4x2048xf32, #tpu.memory_space<vmem>> -> memref<1x4x2048xf32, #tpu.memory_space<vmem>>
    %dma_wait3A_46 = tpu.memref_squeeze %dma_wait3A_45 : memref<1x4x2048xf32, #tpu.memory_space<vmem>> -> memref<4x2048xf32, #tpu.memory_space<vmem>>
    %dma_wait3A_47 = arith.constant 0 : i32
    %dma_wait3A_48 = arith.constant 0 : i32
    %dma_wait3A_49 = tpu.memref_slice %arg4[%dma_wait3A_47, %dma_wait3A_48] : memref<896x2048xf32, #tpu.memory_space<hbm>> -> memref<4x2048xf32, #tpu.memory_space<hbm>>
    %dma_wait3A_50 = arith.constant 0 : i32
    %dma_wait3A_51 = arith.constant 0 : i32
    %dma_wait3A_52 = tpu.memref_slice %arg4[%dma_wait3A_50, %dma_wait3A_51] : memref<896x2048xf32, #tpu.memory_space<hbm>> -> memref<4x2048xf32, #tpu.memory_space<hbm>>
    %dma_wait3A_53 = arith.constant 0 : i32
    %dma_wait3A_54 = arith.constant 0 : i32
    %dma_wait3A_55 = tpu.memref_slice %arg7[%dma_wait3A, %dma_wait3A_53, %dma_wait3A_54] : memref<2x4x2048xf32, #tpu.memory_space<vmem>> -> memref<1x4x2048xf32, #tpu.memory_space<vmem>>
    %dma_wait3A_56 = tpu.memref_squeeze %dma_wait3A_55 : memref<1x4x2048xf32, #tpu.memory_space<vmem>> -> memref<4x2048xf32, #tpu.memory_space<vmem>>
    tpu.wait_dma2 semaphore(%arg10 : memref<!tpu.dma_semaphore, #tpu.memory_space<semaphore_mem>>) src(%dma_wait3A_56 : memref<4x2048xf32, #tpu.memory_space<vmem>>) dst(%dma_wait3A_52 : memref<4x2048xf32, #tpu.memory_space<hbm>>)
    %dma_wait3A_57 = arith.constant 0 : i32
    %dma_wait3A_58 = arith.constant 0 : i32
    %dma_wait3A_59 = arith.constant 0 : i32
    %dma_wait3A_60 = tpu.memref_slice %arg7[%dma_wait3A_57, %dma_wait3A_58, %dma_wait3A_59] : memref<2x4x2048xf32, #tpu.memory_space<vmem>> -> memref<1x4x2048xf32, #tpu.memory_space<vmem>>
    %dma_wait3A_61 = tpu.memref_squeeze %dma_wait3A_60 : memref<1x4x2048xf32, #tpu.memory_space<vmem>> -> memref<4x2048xf32, #tpu.memory_space<vmem>>
    %dma_wait3A_62 = arith.constant 0 : i32
    %dma_wait3A_63 = arith.constant 0 : i32
    %dma_wait3A_64 = tpu.memref_slice %arg4[%dma_wait3A_62, %dma_wait3A_63] : memref<896x2048xf32, #tpu.memory_space<hbm>> -> memref<4x2048xf32, #tpu.memory_space<hbm>>
    %dma_wait3A_65 = arith.constant 0 : i32
    %dma_wait3A_66 = arith.constant 0 : i32
    %dma_wait3A_67 = tpu.memref_slice %arg4[%dma_wait3A_65, %dma_wait3A_66] : memref<896x2048xf32, #tpu.memory_space<hbm>> -> memref<4x2048xf32, #tpu.memory_space<hbm>>
    %dma_wait3A_68 = arith.constant 0 : i32
    %dma_wait3A_69 = arith.constant 0 : i32
    %dma_wait3A_70 = tpu.memref_slice %arg7[%dma_wait3A_57, %dma_wait3A_68, %dma_wait3A_69] : memref<2x4x2048xf32, #tpu.memory_space<vmem>> -> memref<1x4x2048xf32, #tpu.memory_space<vmem>>
    %dma_wait3A_71 = tpu.memref_squeeze %dma_wait3A_70 : memref<1x4x2048xf32, #tpu.memory_space<vmem>> -> memref<4x2048xf32, #tpu.memory_space<vmem>>
    tpu.wait_dma2 semaphore(%arg10 : memref<!tpu.dma_semaphore, #tpu.memory_space<semaphore_mem>>) src(%dma_wait3A_71 : memref<4x2048xf32, #tpu.memory_space<vmem>>) dst(%dma_wait3A_67 : memref<4x2048xf32, #tpu.memory_space<hbm>>)
    return
  }
}

module attributes {stable_mosaic.version = 14 : i64} {
  func.func @_tc_body(%arg0: i32, %arg1: memref<64x32x128xf32, #tpu.memory_space<vmem>>, %arg2: memref<64x32x128xf32, #tpu.memory_space<vmem>>, %arg3: memref<64x2048xf32, #tpu.memory_space<vmem>>) attributes {dimension_semantics = [#tpu.dimension_semantics<arbitrary>], iteration_bounds = array<i64: 18>, scalar_prefetch = 0 : i64, scratch_operands = 0 : i64, tpu.core_type = #tpu.core_type<tc>, window_params = [{transform_indices = @transform_0, window_bounds = array<i64: 64, 32, 128>}, {transform_indices = @transform_1, window_bounds = array<i64: 64, 32, 128>}, {transform_indices = @transform_2, window_bounds = array<i64: 64, 2048>}]} {
    %get3A = arith.constant 0 : index
    %get3A_0 = arith.constant 0 : index
    %get3A_1 = arith.constant 0 : index
    %get3A_2 = vector.load %arg1[%get3A, %get3A_0, %get3A_1] : memref<64x32x128xf32, #tpu.memory_space<vmem>>, vector<64x1x128xf32>
    %get3A_3 = vector.shape_cast %get3A_2 : vector<64x1x128xf32> to vector<64x128xf32>
    %get3A_4 = arith.constant 0 : index
    %get3A_5 = arith.constant 1 : index
    %get3A_6 = arith.constant 0 : index
    %get3A_7 = vector.load %arg1[%get3A_4, %get3A_5, %get3A_6] : memref<64x32x128xf32, #tpu.memory_space<vmem>>, vector<64x1x128xf32>
    %get3A_8 = vector.shape_cast %get3A_7 : vector<64x1x128xf32> to vector<64x128xf32>
    %get3A_9 = arith.constant 0 : index
    %get3A_10 = arith.constant 0 : index
    %get3A_11 = arith.constant 0 : index
    %get3A_12 = vector.load %arg2[%get3A_9, %get3A_10, %get3A_11] : memref<64x32x128xf32, #tpu.memory_space<vmem>>, vector<64x1x128xf32>
    %get3A_13 = vector.shape_cast %get3A_12 : vector<64x1x128xf32> to vector<64x128xf32>
    %get3A_14 = arith.constant 0 : index
    %get3A_15 = arith.constant 1 : index
    %get3A_16 = arith.constant 0 : index
    %get3A_17 = vector.load %arg2[%get3A_14, %get3A_15, %get3A_16] : memref<64x32x128xf32, #tpu.memory_space<vmem>>, vector<64x1x128xf32>
    %get3A_18 = vector.shape_cast %get3A_17 : vector<64x1x128xf32> to vector<64x128xf32>
    %add3A = arith.constant 9.99999968E-21 : f32
    %add3A_19 = vector.broadcast %add3A : f32 to vector<64x128xf32>
    %add3A_20 = arith.addf %get3A_13, %add3A_19 : vector<64x128xf32>
    %log3A = math.log %add3A_20 : vector<64x128xf32>
    %sub3A = arith.constant 9.99999968E-21 : f32
    %sub3A_21 = vector.broadcast %sub3A : f32 to vector<64x128xf32>
    %sub3A_22 = arith.subf %sub3A_21, %log3A : vector<64x128xf32>
    %add3A_23 = arith.constant 9.99999968E-21 : f32
    %add3A_24 = vector.broadcast %add3A_23 : f32 to vector<64x128xf32>
    %add3A_25 = arith.addf %get3A_18, %add3A_24 : vector<64x128xf32>
    %log3A_26 = math.log %add3A_25 : vector<64x128xf32>
    %sub3A_27 = arith.constant 9.99999968E-21 : f32
    %sub3A_28 = vector.broadcast %sub3A_27 : f32 to vector<64x128xf32>
    %sub3A_29 = arith.subf %sub3A_28, %log3A_26 : vector<64x128xf32>
    %div3A = arith.divf %sub3A_22, %sub3A_29 : vector<64x128xf32>
    %log3A_30 = math.log %div3A : vector<64x128xf32>
    %sub3A_31 = arith.subf %get3A_3, %get3A_8 : vector<64x128xf32>
    %sub3A_32 = arith.subf %sub3A_31, %log3A_30 : vector<64x128xf32>
    %mul3A = arith.constant 5.000000e-02 : f32
    %mul3A_33 = vector.broadcast %mul3A : f32 to vector<64x128xf32>
    %mul3A_34 = arith.mulf %sub3A_32, %mul3A_33 : vector<64x128xf32>
    %tanh3A = math.tanh %mul3A_34 : vector<64x128xf32>
    %mul3A_35 = arith.constant 5.000000e-01 : f32
    %mul3A_36 = vector.broadcast %mul3A_35 : f32 to vector<64x128xf32>
    %mul3A_37 = arith.mulf %mul3A_36, %tanh3A : vector<64x128xf32>
    %add3A_38 = arith.constant 5.000000e-01 : f32
    %add3A_39 = vector.broadcast %add3A_38 : f32 to vector<64x128xf32>
    %add3A_40 = arith.addf %add3A_39, %mul3A_37 : vector<64x128xf32>
    %swap3A = arith.constant 0 : index
    %swap3A_41 = arith.constant 0 : index
    %swap3A_42 = vector.load %arg3[%swap3A, %swap3A_41] : memref<64x2048xf32, #tpu.memory_space<vmem>>, vector<64x128xf32>
    tpu.vector_store %arg3[%swap3A, %swap3A_41], %add3A_40 {strides = array<i32>} : memref<64x2048xf32, #tpu.memory_space<vmem>>, vector<64x128xf32>,
    %get3A_43 = arith.constant 0 : index
    %get3A_44 = arith.constant 2 : index
    %get3A_45 = arith.constant 0 : index
    %get3A_46 = vector.load %arg1[%get3A_43, %get3A_44, %get3A_45] : memref<64x32x128xf32, #tpu.memory_space<vmem>>, vector<64x1x128xf32>
    %get3A_47 = vector.shape_cast %get3A_46 : vector<64x1x128xf32> to vector<64x128xf32>
    %get3A_48 = arith.constant 0 : index
    %get3A_49 = arith.constant 3 : index
    %get3A_50 = arith.constant 0 : index
    %get3A_51 = vector.load %arg1[%get3A_48, %get3A_49, %get3A_50] : memref<64x32x128xf32, #tpu.memory_space<vmem>>, vector<64x1x128xf32>
    %get3A_52 = vector.shape_cast %get3A_51 : vector<64x1x128xf32> to vector<64x128xf32>
    %get3A_53 = arith.constant 0 : index
    %get3A_54 = arith.constant 2 : index
    %get3A_55 = arith.constant 0 : index
    %get3A_56 = vector.load %arg2[%get3A_53, %get3A_54, %get3A_55] : memref<64x32x128xf32, #tpu.memory_space<vmem>>, vector<64x1x128xf32>
    %get3A_57 = vector.shape_cast %get3A_56 : vector<64x1x128xf32> to vector<64x128xf32>
    %get3A_58 = arith.constant 0 : index
    %get3A_59 = arith.constant 3 : index
    %get3A_60 = arith.constant 0 : index
    %get3A_61 = vector.load %arg2[%get3A_58, %get3A_59, %get3A_60] : memref<64x32x128xf32, #tpu.memory_space<vmem>>, vector<64x1x128xf32>
    %get3A_62 = vector.shape_cast %get3A_61 : vector<64x1x128xf32> to vector<64x128xf32>
    %add3A_63 = arith.constant 9.99999968E-21 : f32
    %add3A_64 = vector.broadcast %add3A_63 : f32 to vector<64x128xf32>
    %add3A_65 = arith.addf %get3A_57, %add3A_64 : vector<64x128xf32>
    %log3A_66 = math.log %add3A_65 : vector<64x128xf32>
    %sub3A_67 = arith.constant 9.99999968E-21 : f32
    %sub3A_68 = vector.broadcast %sub3A_67 : f32 to vector<64x128xf32>
    %sub3A_69 = arith.subf %sub3A_68, %log3A_66 : vector<64x128xf32>
    %add3A_70 = arith.constant 9.99999968E-21 : f32
    %add3A_71 = vector.broadcast %add3A_70 : f32 to vector<64x128xf32>
    %add3A_72 = arith.addf %get3A_62, %add3A_71 : vector<64x128xf32>
    %log3A_73 = math.log %add3A_72 : vector<64x128xf32>
    %sub3A_74 = arith.constant 9.99999968E-21 : f32
    %sub3A_75 = vector.broadcast %sub3A_74 : f32 to vector<64x128xf32>
    %sub3A_76 = arith.subf %sub3A_75, %log3A_73 : vector<64x128xf32>
    %div3A_77 = arith.divf %sub3A_69, %sub3A_76 : vector<64x128xf32>
    %log3A_78 = math.log %div3A_77 : vector<64x128xf32>
    %sub3A_79 = arith.subf %get3A_47, %get3A_52 : vector<64x128xf32>
    %sub3A_80 = arith.subf %sub3A_79, %log3A_78 : vector<64x128xf32>
    %mul3A_81 = arith.constant 5.000000e-02 : f32
    %mul3A_82 = vector.broadcast %mul3A_81 : f32 to vector<64x128xf32>
    %mul3A_83 = arith.mulf %sub3A_80, %mul3A_82 : vector<64x128xf32>
    %tanh3A_84 = math.tanh %mul3A_83 : vector<64x128xf32>
    %mul3A_85 = arith.constant 5.000000e-01 : f32
    %mul3A_86 = vector.broadcast %mul3A_85 : f32 to vector<64x128xf32>
    %mul3A_87 = arith.mulf %mul3A_86, %tanh3A_84 : vector<64x128xf32>
    %add3A_88 = arith.constant 5.000000e-01 : f32
    %add3A_89 = vector.broadcast %add3A_88 : f32 to vector<64x128xf32>
    %add3A_90 = arith.addf %add3A_89, %mul3A_87 : vector<64x128xf32>
    %swap3A_91 = arith.constant 0 : index
    %swap3A_92 = arith.constant 128 : index
    %swap3A_93 = vector.load %arg3[%swap3A_91, %swap3A_92] : memref<64x2048xf32, #tpu.memory_space<vmem>>, vector<64x128xf32>
    tpu.vector_store %arg3[%swap3A_91, %swap3A_92], %add3A_90 {strides = array<i32>} : memref<64x2048xf32, #tpu.memory_space<vmem>>, vector<64x128xf32>,
    %get3A_94 = arith.constant 0 : index
    %get3A_95 = arith.constant 4 : index
    %get3A_96 = arith.constant 0 : index
    %get3A_97 = vector.load %arg1[%get3A_94, %get3A_95, %get3A_96] : memref<64x32x128xf32, #tpu.memory_space<vmem>>, vector<64x1x128xf32>
    %get3A_98 = vector.shape_cast %get3A_97 : vector<64x1x128xf32> to vector<64x128xf32>
    %get3A_99 = arith.constant 0 : index
    %get3A_100 = arith.constant 5 : index
    %get3A_101 = arith.constant 0 : index
    %get3A_102 = vector.load %arg1[%get3A_99, %get3A_100, %get3A_101] : memref<64x32x128xf32, #tpu.memory_space<vmem>>, vector<64x1x128xf32>
    %get3A_103 = vector.shape_cast %get3A_102 : vector<64x1x128xf32> to vector<64x128xf32>
    %get3A_104 = arith.constant 0 : index
    %get3A_105 = arith.constant 4 : index
    %get3A_106 = arith.constant 0 : index
    %get3A_107 = vector.load %arg2[%get3A_104, %get3A_105, %get3A_106] : memref<64x32x128xf32, #tpu.memory_space<vmem>>, vector<64x1x128xf32>
    %get3A_108 = vector.shape_cast %get3A_107 : vector<64x1x128xf32> to vector<64x128xf32>
    %get3A_109 = arith.constant 0 : index
    %get3A_110 = arith.constant 5 : index
    %get3A_111 = arith.constant 0 : index
    %get3A_112 = vector.load %arg2[%get3A_109, %get3A_110, %get3A_111] : memref<64x32x128xf32, #tpu.memory_space<vmem>>, vector<64x1x128xf32>
    %get3A_113 = vector.shape_cast %get3A_112 : vector<64x1x128xf32> to vector<64x128xf32>
    %add3A_114 = arith.constant 9.99999968E-21 : f32
    %add3A_115 = vector.broadcast %add3A_114 : f32 to vector<64x128xf32>
    %add3A_116 = arith.addf %get3A_108, %add3A_115 : vector<64x128xf32>
    %log3A_117 = math.log %add3A_116 : vector<64x128xf32>
    %sub3A_118 = arith.constant 9.99999968E-21 : f32
    %sub3A_119 = vector.broadcast %sub3A_118 : f32 to vector<64x128xf32>
    %sub3A_120 = arith.subf %sub3A_119, %log3A_117 : vector<64x128xf32>
    %add3A_121 = arith.constant 9.99999968E-21 : f32
    %add3A_122 = vector.broadcast %add3A_121 : f32 to vector<64x128xf32>
    %add3A_123 = arith.addf %get3A_113, %add3A_122 : vector<64x128xf32>
    %log3A_124 = math.log %add3A_123 : vector<64x128xf32>
    %sub3A_125 = arith.constant 9.99999968E-21 : f32
    %sub3A_126 = vector.broadcast %sub3A_125 : f32 to vector<64x128xf32>
    %sub3A_127 = arith.subf %sub3A_126, %log3A_124 : vector<64x128xf32>
    %div3A_128 = arith.divf %sub3A_120, %sub3A_127 : vector<64x128xf32>
    %log3A_129 = math.log %div3A_128 : vector<64x128xf32>
    %sub3A_130 = arith.subf %get3A_98, %get3A_103 : vector<64x128xf32>
    %sub3A_131 = arith.subf %sub3A_130, %log3A_129 : vector<64x128xf32>
    %mul3A_132 = arith.constant 5.000000e-02 : f32
    %mul3A_133 = vector.broadcast %mul3A_132 : f32 to vector<64x128xf32>
    %mul3A_134 = arith.mulf %sub3A_131, %mul3A_133 : vector<64x128xf32>
    %tanh3A_135 = math.tanh %mul3A_134 : vector<64x128xf32>
    %mul3A_136 = arith.constant 5.000000e-01 : f32
    %mul3A_137 = vector.broadcast %mul3A_136 : f32 to vector<64x128xf32>
    %mul3A_138 = arith.mulf %mul3A_137, %tanh3A_135 : vector<64x128xf32>
    %add3A_139 = arith.constant 5.000000e-01 : f32
    %add3A_140 = vector.broadcast %add3A_139 : f32 to vector<64x128xf32>
    %add3A_141 = arith.addf %add3A_140, %mul3A_138 : vector<64x128xf32>
    %swap3A_142 = arith.constant 0 : index
    %swap3A_143 = arith.constant 256 : index
    %swap3A_144 = vector.load %arg3[%swap3A_142, %swap3A_143] : memref<64x2048xf32, #tpu.memory_space<vmem>>, vector<64x128xf32>
    tpu.vector_store %arg3[%swap3A_142, %swap3A_143], %add3A_141 {strides = array<i32>} : memref<64x2048xf32, #tpu.memory_space<vmem>>, vector<64x128xf32>,
    %get3A_145 = arith.constant 0 : index
    %get3A_146 = arith.constant 6 : index
    %get3A_147 = arith.constant 0 : index
    %get3A_148 = vector.load %arg1[%get3A_145, %get3A_146, %get3A_147] : memref<64x32x128xf32, #tpu.memory_space<vmem>>, vector<64x1x128xf32>
    %get3A_149 = vector.shape_cast %get3A_148 : vector<64x1x128xf32> to vector<64x128xf32>
    %get3A_150 = arith.constant 0 : index
    %get3A_151 = arith.constant 7 : index
    %get3A_152 = arith.constant 0 : index
    %get3A_153 = vector.load %arg1[%get3A_150, %get3A_151, %get3A_152] : memref<64x32x128xf32, #tpu.memory_space<vmem>>, vector<64x1x128xf32>
    %get3A_154 = vector.shape_cast %get3A_153 : vector<64x1x128xf32> to vector<64x128xf32>
    %get3A_155 = arith.constant 0 : index
    %get3A_156 = arith.constant 6 : index
    %get3A_157 = arith.constant 0 : index
    %get3A_158 = vector.load %arg2[%get3A_155, %get3A_156, %get3A_157] : memref<64x32x128xf32, #tpu.memory_space<vmem>>, vector<64x1x128xf32>
    %get3A_159 = vector.shape_cast %get3A_158 : vector<64x1x128xf32> to vector<64x128xf32>
    %get3A_160 = arith.constant 0 : index
    %get3A_161 = arith.constant 7 : index
    %get3A_162 = arith.constant 0 : index
    %get3A_163 = vector.load %arg2[%get3A_160, %get3A_161, %get3A_162] : memref<64x32x128xf32, #tpu.memory_space<vmem>>, vector<64x1x128xf32>
    %get3A_164 = vector.shape_cast %get3A_163 : vector<64x1x128xf32> to vector<64x128xf32>
    %add3A_165 = arith.constant 9.99999968E-21 : f32
    %add3A_166 = vector.broadcast %add3A_165 : f32 to vector<64x128xf32>
    %add3A_167 = arith.addf %get3A_159, %add3A_166 : vector<64x128xf32>
    %log3A_168 = math.log %add3A_167 : vector<64x128xf32>
    %sub3A_169 = arith.constant 9.99999968E-21 : f32
    %sub3A_170 = vector.broadcast %sub3A_169 : f32 to vector<64x128xf32>
    %sub3A_171 = arith.subf %sub3A_170, %log3A_168 : vector<64x128xf32>
    %add3A_172 = arith.constant 9.99999968E-21 : f32
    %add3A_173 = vector.broadcast %add3A_172 : f32 to vector<64x128xf32>
    %add3A_174 = arith.addf %get3A_164, %add3A_173 : vector<64x128xf32>
    %log3A_175 = math.log %add3A_174 : vector<64x128xf32>
    %sub3A_176 = arith.constant 9.99999968E-21 : f32
    %sub3A_177 = vector.broadcast %sub3A_176 : f32 to vector<64x128xf32>
    %sub3A_178 = arith.subf %sub3A_177, %log3A_175 : vector<64x128xf32>
    %div3A_179 = arith.divf %sub3A_171, %sub3A_178 : vector<64x128xf32>
    %log3A_180 = math.log %div3A_179 : vector<64x128xf32>
    %sub3A_181 = arith.subf %get3A_149, %get3A_154 : vector<64x128xf32>
    %sub3A_182 = arith.subf %sub3A_181, %log3A_180 : vector<64x128xf32>
    %mul3A_183 = arith.constant 5.000000e-02 : f32
    %mul3A_184 = vector.broadcast %mul3A_183 : f32 to vector<64x128xf32>
    %mul3A_185 = arith.mulf %sub3A_182, %mul3A_184 : vector<64x128xf32>
    %tanh3A_186 = math.tanh %mul3A_185 : vector<64x128xf32>
    %mul3A_187 = arith.constant 5.000000e-01 : f32
    %mul3A_188 = vector.broadcast %mul3A_187 : f32 to vector<64x128xf32>
    %mul3A_189 = arith.mulf %mul3A_188, %tanh3A_186 : vector<64x128xf32>
    %add3A_190 = arith.constant 5.000000e-01 : f32
    %add3A_191 = vector.broadcast %add3A_190 : f32 to vector<64x128xf32>
    %add3A_192 = arith.addf %add3A_191, %mul3A_189 : vector<64x128xf32>
    %swap3A_193 = arith.constant 0 : index
    %swap3A_194 = arith.constant 384 : index
    %swap3A_195 = vector.load %arg3[%swap3A_193, %swap3A_194] : memref<64x2048xf32, #tpu.memory_space<vmem>>, vector<64x128xf32>
    tpu.vector_store %arg3[%swap3A_193, %swap3A_194], %add3A_192 {strides = array<i32>} : memref<64x2048xf32, #tpu.memory_space<vmem>>, vector<64x128xf32>,
    %get3A_196 = arith.constant 0 : index
    %get3A_197 = arith.constant 8 : index
    %get3A_198 = arith.constant 0 : index
    %get3A_199 = vector.load %arg1[%get3A_196, %get3A_197, %get3A_198] : memref<64x32x128xf32, #tpu.memory_space<vmem>>, vector<64x1x128xf32>
    %get3A_200 = vector.shape_cast %get3A_199 : vector<64x1x128xf32> to vector<64x128xf32>
    %get3A_201 = arith.constant 0 : index
    %get3A_202 = arith.constant 9 : index
    %get3A_203 = arith.constant 0 : index
    %get3A_204 = vector.load %arg1[%get3A_201, %get3A_202, %get3A_203] : memref<64x32x128xf32, #tpu.memory_space<vmem>>, vector<64x1x128xf32>
    %get3A_205 = vector.shape_cast %get3A_204 : vector<64x1x128xf32> to vector<64x128xf32>
    %get3A_206 = arith.constant 0 : index
    %get3A_207 = arith.constant 8 : index
    %get3A_208 = arith.constant 0 : index
    %get3A_209 = vector.load %arg2[%get3A_206, %get3A_207, %get3A_208] : memref<64x32x128xf32, #tpu.memory_space<vmem>>, vector<64x1x128xf32>
    %get3A_210 = vector.shape_cast %get3A_209 : vector<64x1x128xf32> to vector<64x128xf32>
    %get3A_211 = arith.constant 0 : index
    %get3A_212 = arith.constant 9 : index
    %get3A_213 = arith.constant 0 : index
    %get3A_214 = vector.load %arg2[%get3A_211, %get3A_212, %get3A_213] : memref<64x32x128xf32, #tpu.memory_space<vmem>>, vector<64x1x128xf32>
    %get3A_215 = vector.shape_cast %get3A_214 : vector<64x1x128xf32> to vector<64x128xf32>
    %add3A_216 = arith.constant 9.99999968E-21 : f32
    %add3A_217 = vector.broadcast %add3A_216 : f32 to vector<64x128xf32>
    %add3A_218 = arith.addf %get3A_210, %add3A_217 : vector<64x128xf32>
    %log3A_219 = math.log %add3A_218 : vector<64x128xf32>
    %sub3A_220 = arith.constant 9.99999968E-21 : f32
    %sub3A_221 = vector.broadcast %sub3A_220 : f32 to vector<64x128xf32>
    %sub3A_222 = arith.subf %sub3A_221, %log3A_219 : vector<64x128xf32>
    %add3A_223 = arith.constant 9.99999968E-21 : f32
    %add3A_224 = vector.broadcast %add3A_223 : f32 to vector<64x128xf32>
    %add3A_225 = arith.addf %get3A_215, %add3A_224 : vector<64x128xf32>
    %log3A_226 = math.log %add3A_225 : vector<64x128xf32>
    %sub3A_227 = arith.constant 9.99999968E-21 : f32
    %sub3A_228 = vector.broadcast %sub3A_227 : f32 to vector<64x128xf32>
    %sub3A_229 = arith.subf %sub3A_228, %log3A_226 : vector<64x128xf32>
    %div3A_230 = arith.divf %sub3A_222, %sub3A_229 : vector<64x128xf32>
    %log3A_231 = math.log %div3A_230 : vector<64x128xf32>
    %sub3A_232 = arith.subf %get3A_200, %get3A_205 : vector<64x128xf32>
    %sub3A_233 = arith.subf %sub3A_232, %log3A_231 : vector<64x128xf32>
    %mul3A_234 = arith.constant 5.000000e-02 : f32
    %mul3A_235 = vector.broadcast %mul3A_234 : f32 to vector<64x128xf32>
    %mul3A_236 = arith.mulf %sub3A_233, %mul3A_235 : vector<64x128xf32>
    %tanh3A_237 = math.tanh %mul3A_236 : vector<64x128xf32>
    %mul3A_238 = arith.constant 5.000000e-01 : f32
    %mul3A_239 = vector.broadcast %mul3A_238 : f32 to vector<64x128xf32>
    %mul3A_240 = arith.mulf %mul3A_239, %tanh3A_237 : vector<64x128xf32>
    %add3A_241 = arith.constant 5.000000e-01 : f32
    %add3A_242 = vector.broadcast %add3A_241 : f32 to vector<64x128xf32>
    %add3A_243 = arith.addf %add3A_242, %mul3A_240 : vector<64x128xf32>
    %swap3A_244 = arith.constant 0 : index
    %swap3A_245 = arith.constant 512 : index
    %swap3A_246 = vector.load %arg3[%swap3A_244, %swap3A_245] : memref<64x2048xf32, #tpu.memory_space<vmem>>, vector<64x128xf32>
    tpu.vector_store %arg3[%swap3A_244, %swap3A_245], %add3A_243 {strides = array<i32>} : memref<64x2048xf32, #tpu.memory_space<vmem>>, vector<64x128xf32>,
    %get3A_247 = arith.constant 0 : index
    %get3A_248 = arith.constant 10 : index
    %get3A_249 = arith.constant 0 : index
    %get3A_250 = vector.load %arg1[%get3A_247, %get3A_248, %get3A_249] : memref<64x32x128xf32, #tpu.memory_space<vmem>>, vector<64x1x128xf32>
    %get3A_251 = vector.shape_cast %get3A_250 : vector<64x1x128xf32> to vector<64x128xf32>
    %get3A_252 = arith.constant 0 : index
    %get3A_253 = arith.constant 11 : index
    %get3A_254 = arith.constant 0 : index
    %get3A_255 = vector.load %arg1[%get3A_252, %get3A_253, %get3A_254] : memref<64x32x128xf32, #tpu.memory_space<vmem>>, vector<64x1x128xf32>
    %get3A_256 = vector.shape_cast %get3A_255 : vector<64x1x128xf32> to vector<64x128xf32>
    %get3A_257 = arith.constant 0 : index
    %get3A_258 = arith.constant 10 : index
    %get3A_259 = arith.constant 0 : index
    %get3A_260 = vector.load %arg2[%get3A_257, %get3A_258, %get3A_259] : memref<64x32x128xf32, #tpu.memory_space<vmem>>, vector<64x1x128xf32>
    %get3A_261 = vector.shape_cast %get3A_260 : vector<64x1x128xf32> to vector<64x128xf32>
    %get3A_262 = arith.constant 0 : index
    %get3A_263 = arith.constant 11 : index
    %get3A_264 = arith.constant 0 : index
    %get3A_265 = vector.load %arg2[%get3A_262, %get3A_263, %get3A_264] : memref<64x32x128xf32, #tpu.memory_space<vmem>>, vector<64x1x128xf32>
    %get3A_266 = vector.shape_cast %get3A_265 : vector<64x1x128xf32> to vector<64x128xf32>
    %add3A_267 = arith.constant 9.99999968E-21 : f32
    %add3A_268 = vector.broadcast %add3A_267 : f32 to vector<64x128xf32>
    %add3A_269 = arith.addf %get3A_261, %add3A_268 : vector<64x128xf32>
    %log3A_270 = math.log %add3A_269 : vector<64x128xf32>
    %sub3A_271 = arith.constant 9.99999968E-21 : f32
    %sub3A_272 = vector.broadcast %sub3A_271 : f32 to vector<64x128xf32>
    %sub3A_273 = arith.subf %sub3A_272, %log3A_270 : vector<64x128xf32>
    %add3A_274 = arith.constant 9.99999968E-21 : f32
    %add3A_275 = vector.broadcast %add3A_274 : f32 to vector<64x128xf32>
    %add3A_276 = arith.addf %get3A_266, %add3A_275 : vector<64x128xf32>
    %log3A_277 = math.log %add3A_276 : vector<64x128xf32>
    %sub3A_278 = arith.constant 9.99999968E-21 : f32
    %sub3A_279 = vector.broadcast %sub3A_278 : f32 to vector<64x128xf32>
    %sub3A_280 = arith.subf %sub3A_279, %log3A_277 : vector<64x128xf32>
    %div3A_281 = arith.divf %sub3A_273, %sub3A_280 : vector<64x128xf32>
    %log3A_282 = math.log %div3A_281 : vector<64x128xf32>
    %sub3A_283 = arith.subf %get3A_251, %get3A_256 : vector<64x128xf32>
    %sub3A_284 = arith.subf %sub3A_283, %log3A_282 : vector<64x128xf32>
    %mul3A_285 = arith.constant 5.000000e-02 : f32
    %mul3A_286 = vector.broadcast %mul3A_285 : f32 to vector<64x128xf32>
    %mul3A_287 = arith.mulf %sub3A_284, %mul3A_286 : vector<64x128xf32>
    %tanh3A_288 = math.tanh %mul3A_287 : vector<64x128xf32>
    %mul3A_289 = arith.constant 5.000000e-01 : f32
    %mul3A_290 = vector.broadcast %mul3A_289 : f32 to vector<64x128xf32>
    %mul3A_291 = arith.mulf %mul3A_290, %tanh3A_288 : vector<64x128xf32>
    %add3A_292 = arith.constant 5.000000e-01 : f32
    %add3A_293 = vector.broadcast %add3A_292 : f32 to vector<64x128xf32>
    %add3A_294 = arith.addf %add3A_293, %mul3A_291 : vector<64x128xf32>
    %swap3A_295 = arith.constant 0 : index
    %swap3A_296 = arith.constant 640 : index
    %swap3A_297 = vector.load %arg3[%swap3A_295, %swap3A_296] : memref<64x2048xf32, #tpu.memory_space<vmem>>, vector<64x128xf32>
    tpu.vector_store %arg3[%swap3A_295, %swap3A_296], %add3A_294 {strides = array<i32>} : memref<64x2048xf32, #tpu.memory_space<vmem>>, vector<64x128xf32>,
    %get3A_298 = arith.constant 0 : index
    %get3A_299 = arith.constant 12 : index
    %get3A_300 = arith.constant 0 : index
    %get3A_301 = vector.load %arg1[%get3A_298, %get3A_299, %get3A_300] : memref<64x32x128xf32, #tpu.memory_space<vmem>>, vector<64x1x128xf32>
    %get3A_302 = vector.shape_cast %get3A_301 : vector<64x1x128xf32> to vector<64x128xf32>
    %get3A_303 = arith.constant 0 : index
    %get3A_304 = arith.constant 13 : index
    %get3A_305 = arith.constant 0 : index
    %get3A_306 = vector.load %arg1[%get3A_303, %get3A_304, %get3A_305] : memref<64x32x128xf32, #tpu.memory_space<vmem>>, vector<64x1x128xf32>
    %get3A_307 = vector.shape_cast %get3A_306 : vector<64x1x128xf32> to vector<64x128xf32>
    %get3A_308 = arith.constant 0 : index
    %get3A_309 = arith.constant 12 : index
    %get3A_310 = arith.constant 0 : index
    %get3A_311 = vector.load %arg2[%get3A_308, %get3A_309, %get3A_310] : memref<64x32x128xf32, #tpu.memory_space<vmem>>, vector<64x1x128xf32>
    %get3A_312 = vector.shape_cast %get3A_311 : vector<64x1x128xf32> to vector<64x128xf32>
    %get3A_313 = arith.constant 0 : index
    %get3A_314 = arith.constant 13 : index
    %get3A_315 = arith.constant 0 : index
    %get3A_316 = vector.load %arg2[%get3A_313, %get3A_314, %get3A_315] : memref<64x32x128xf32, #tpu.memory_space<vmem>>, vector<64x1x128xf32>
    %get3A_317 = vector.shape_cast %get3A_316 : vector<64x1x128xf32> to vector<64x128xf32>
    %add3A_318 = arith.constant 9.99999968E-21 : f32
    %add3A_319 = vector.broadcast %add3A_318 : f32 to vector<64x128xf32>
    %add3A_320 = arith.addf %get3A_312, %add3A_319 : vector<64x128xf32>
    %log3A_321 = math.log %add3A_320 : vector<64x128xf32>
    %sub3A_322 = arith.constant 9.99999968E-21 : f32
    %sub3A_323 = vector.broadcast %sub3A_322 : f32 to vector<64x128xf32>
    %sub3A_324 = arith.subf %sub3A_323, %log3A_321 : vector<64x128xf32>
    %add3A_325 = arith.constant 9.99999968E-21 : f32
    %add3A_326 = vector.broadcast %add3A_325 : f32 to vector<64x128xf32>
    %add3A_327 = arith.addf %get3A_317, %add3A_326 : vector<64x128xf32>
    %log3A_328 = math.log %add3A_327 : vector<64x128xf32>
    %sub3A_329 = arith.constant 9.99999968E-21 : f32
    %sub3A_330 = vector.broadcast %sub3A_329 : f32 to vector<64x128xf32>
    %sub3A_331 = arith.subf %sub3A_330, %log3A_328 : vector<64x128xf32>
    %div3A_332 = arith.divf %sub3A_324, %sub3A_331 : vector<64x128xf32>
    %log3A_333 = math.log %div3A_332 : vector<64x128xf32>
    %sub3A_334 = arith.subf %get3A_302, %get3A_307 : vector<64x128xf32>
    %sub3A_335 = arith.subf %sub3A_334, %log3A_333 : vector<64x128xf32>
    %mul3A_336 = arith.constant 5.000000e-02 : f32
    %mul3A_337 = vector.broadcast %mul3A_336 : f32 to vector<64x128xf32>
    %mul3A_338 = arith.mulf %sub3A_335, %mul3A_337 : vector<64x128xf32>
    %tanh3A_339 = math.tanh %mul3A_338 : vector<64x128xf32>
    %mul3A_340 = arith.constant 5.000000e-01 : f32
    %mul3A_341 = vector.broadcast %mul3A_340 : f32 to vector<64x128xf32>
    %mul3A_342 = arith.mulf %mul3A_341, %tanh3A_339 : vector<64x128xf32>
    %add3A_343 = arith.constant 5.000000e-01 : f32
    %add3A_344 = vector.broadcast %add3A_343 : f32 to vector<64x128xf32>
    %add3A_345 = arith.addf %add3A_344, %mul3A_342 : vector<64x128xf32>
    %swap3A_346 = arith.constant 0 : index
    %swap3A_347 = arith.constant 768 : index
    %swap3A_348 = vector.load %arg3[%swap3A_346, %swap3A_347] : memref<64x2048xf32, #tpu.memory_space<vmem>>, vector<64x128xf32>
    tpu.vector_store %arg3[%swap3A_346, %swap3A_347], %add3A_345 {strides = array<i32>} : memref<64x2048xf32, #tpu.memory_space<vmem>>, vector<64x128xf32>,
    %get3A_349 = arith.constant 0 : index
    %get3A_350 = arith.constant 14 : index
    %get3A_351 = arith.constant 0 : index
    %get3A_352 = vector.load %arg1[%get3A_349, %get3A_350, %get3A_351] : memref<64x32x128xf32, #tpu.memory_space<vmem>>, vector<64x1x128xf32>
    %get3A_353 = vector.shape_cast %get3A_352 : vector<64x1x128xf32> to vector<64x128xf32>
    %get3A_354 = arith.constant 0 : index
    %get3A_355 = arith.constant 15 : index
    %get3A_356 = arith.constant 0 : index
    %get3A_357 = vector.load %arg1[%get3A_354, %get3A_355, %get3A_356] : memref<64x32x128xf32, #tpu.memory_space<vmem>>, vector<64x1x128xf32>
    %get3A_358 = vector.shape_cast %get3A_357 : vector<64x1x128xf32> to vector<64x128xf32>
    %get3A_359 = arith.constant 0 : index
    %get3A_360 = arith.constant 14 : index
    %get3A_361 = arith.constant 0 : index
    %get3A_362 = vector.load %arg2[%get3A_359, %get3A_360, %get3A_361] : memref<64x32x128xf32, #tpu.memory_space<vmem>>, vector<64x1x128xf32>
    %get3A_363 = vector.shape_cast %get3A_362 : vector<64x1x128xf32> to vector<64x128xf32>
    %get3A_364 = arith.constant 0 : index
    %get3A_365 = arith.constant 15 : index
    %get3A_366 = arith.constant 0 : index
    %get3A_367 = vector.load %arg2[%get3A_364, %get3A_365, %get3A_366] : memref<64x32x128xf32, #tpu.memory_space<vmem>>, vector<64x1x128xf32>
    %get3A_368 = vector.shape_cast %get3A_367 : vector<64x1x128xf32> to vector<64x128xf32>
    %add3A_369 = arith.constant 9.99999968E-21 : f32
    %add3A_370 = vector.broadcast %add3A_369 : f32 to vector<64x128xf32>
    %add3A_371 = arith.addf %get3A_363, %add3A_370 : vector<64x128xf32>
    %log3A_372 = math.log %add3A_371 : vector<64x128xf32>
    %sub3A_373 = arith.constant 9.99999968E-21 : f32
    %sub3A_374 = vector.broadcast %sub3A_373 : f32 to vector<64x128xf32>
    %sub3A_375 = arith.subf %sub3A_374, %log3A_372 : vector<64x128xf32>
    %add3A_376 = arith.constant 9.99999968E-21 : f32
    %add3A_377 = vector.broadcast %add3A_376 : f32 to vector<64x128xf32>
    %add3A_378 = arith.addf %get3A_368, %add3A_377 : vector<64x128xf32>
    %log3A_379 = math.log %add3A_378 : vector<64x128xf32>
    %sub3A_380 = arith.constant 9.99999968E-21 : f32
    %sub3A_381 = vector.broadcast %sub3A_380 : f32 to vector<64x128xf32>
    %sub3A_382 = arith.subf %sub3A_381, %log3A_379 : vector<64x128xf32>
    %div3A_383 = arith.divf %sub3A_375, %sub3A_382 : vector<64x128xf32>
    %log3A_384 = math.log %div3A_383 : vector<64x128xf32>
    %sub3A_385 = arith.subf %get3A_353, %get3A_358 : vector<64x128xf32>
    %sub3A_386 = arith.subf %sub3A_385, %log3A_384 : vector<64x128xf32>
    %mul3A_387 = arith.constant 5.000000e-02 : f32
    %mul3A_388 = vector.broadcast %mul3A_387 : f32 to vector<64x128xf32>
    %mul3A_389 = arith.mulf %sub3A_386, %mul3A_388 : vector<64x128xf32>
    %tanh3A_390 = math.tanh %mul3A_389 : vector<64x128xf32>
    %mul3A_391 = arith.constant 5.000000e-01 : f32
    %mul3A_392 = vector.broadcast %mul3A_391 : f32 to vector<64x128xf32>
    %mul3A_393 = arith.mulf %mul3A_392, %tanh3A_390 : vector<64x128xf32>
    %add3A_394 = arith.constant 5.000000e-01 : f32
    %add3A_395 = vector.broadcast %add3A_394 : f32 to vector<64x128xf32>
    %add3A_396 = arith.addf %add3A_395, %mul3A_393 : vector<64x128xf32>
    %swap3A_397 = arith.constant 0 : index
    %swap3A_398 = arith.constant 896 : index
    %swap3A_399 = vector.load %arg3[%swap3A_397, %swap3A_398] : memref<64x2048xf32, #tpu.memory_space<vmem>>, vector<64x128xf32>
    tpu.vector_store %arg3[%swap3A_397, %swap3A_398], %add3A_396 {strides = array<i32>} : memref<64x2048xf32, #tpu.memory_space<vmem>>, vector<64x128xf32>,
    %get3A_400 = arith.constant 0 : index
    %get3A_401 = arith.constant 16 : index
    %get3A_402 = arith.constant 0 : index
    %get3A_403 = vector.load %arg1[%get3A_400, %get3A_401, %get3A_402] : memref<64x32x128xf32, #tpu.memory_space<vmem>>, vector<64x1x128xf32>
    %get3A_404 = vector.shape_cast %get3A_403 : vector<64x1x128xf32> to vector<64x128xf32>
    %get3A_405 = arith.constant 0 : index
    %get3A_406 = arith.constant 17 : index
    %get3A_407 = arith.constant 0 : index
    %get3A_408 = vector.load %arg1[%get3A_405, %get3A_406, %get3A_407] : memref<64x32x128xf32, #tpu.memory_space<vmem>>, vector<64x1x128xf32>
    %get3A_409 = vector.shape_cast %get3A_408 : vector<64x1x128xf32> to vector<64x128xf32>
    %get3A_410 = arith.constant 0 : index
    %get3A_411 = arith.constant 16 : index
    %get3A_412 = arith.constant 0 : index
    %get3A_413 = vector.load %arg2[%get3A_410, %get3A_411, %get3A_412] : memref<64x32x128xf32, #tpu.memory_space<vmem>>, vector<64x1x128xf32>
    %get3A_414 = vector.shape_cast %get3A_413 : vector<64x1x128xf32> to vector<64x128xf32>
    %get3A_415 = arith.constant 0 : index
    %get3A_416 = arith.constant 17 : index
    %get3A_417 = arith.constant 0 : index
    %get3A_418 = vector.load %arg2[%get3A_415, %get3A_416, %get3A_417] : memref<64x32x128xf32, #tpu.memory_space<vmem>>, vector<64x1x128xf32>
    %get3A_419 = vector.shape_cast %get3A_418 : vector<64x1x128xf32> to vector<64x128xf32>
    %add3A_420 = arith.constant 9.99999968E-21 : f32
    %add3A_421 = vector.broadcast %add3A_420 : f32 to vector<64x128xf32>
    %add3A_422 = arith.addf %get3A_414, %add3A_421 : vector<64x128xf32>
    %log3A_423 = math.log %add3A_422 : vector<64x128xf32>
    %sub3A_424 = arith.constant 9.99999968E-21 : f32
    %sub3A_425 = vector.broadcast %sub3A_424 : f32 to vector<64x128xf32>
    %sub3A_426 = arith.subf %sub3A_425, %log3A_423 : vector<64x128xf32>
    %add3A_427 = arith.constant 9.99999968E-21 : f32
    %add3A_428 = vector.broadcast %add3A_427 : f32 to vector<64x128xf32>
    %add3A_429 = arith.addf %get3A_419, %add3A_428 : vector<64x128xf32>
    %log3A_430 = math.log %add3A_429 : vector<64x128xf32>
    %sub3A_431 = arith.constant 9.99999968E-21 : f32
    %sub3A_432 = vector.broadcast %sub3A_431 : f32 to vector<64x128xf32>
    %sub3A_433 = arith.subf %sub3A_432, %log3A_430 : vector<64x128xf32>
    %div3A_434 = arith.divf %sub3A_426, %sub3A_433 : vector<64x128xf32>
    %log3A_435 = math.log %div3A_434 : vector<64x128xf32>
    %sub3A_436 = arith.subf %get3A_404, %get3A_409 : vector<64x128xf32>
    %sub3A_437 = arith.subf %sub3A_436, %log3A_435 : vector<64x128xf32>
    %mul3A_438 = arith.constant 5.000000e-02 : f32
    %mul3A_439 = vector.broadcast %mul3A_438 : f32 to vector<64x128xf32>
    %mul3A_440 = arith.mulf %sub3A_437, %mul3A_439 : vector<64x128xf32>
    %tanh3A_441 = math.tanh %mul3A_440 : vector<64x128xf32>
    %mul3A_442 = arith.constant 5.000000e-01 : f32
    %mul3A_443 = vector.broadcast %mul3A_442 : f32 to vector<64x128xf32>
    %mul3A_444 = arith.mulf %mul3A_443, %tanh3A_441 : vector<64x128xf32>
    %add3A_445 = arith.constant 5.000000e-01 : f32
    %add3A_446 = vector.broadcast %add3A_445 : f32 to vector<64x128xf32>
    %add3A_447 = arith.addf %add3A_446, %mul3A_444 : vector<64x128xf32>
    %swap3A_448 = arith.constant 0 : index
    %swap3A_449 = arith.constant 1024 : index
    %swap3A_450 = vector.load %arg3[%swap3A_448, %swap3A_449] : memref<64x2048xf32, #tpu.memory_space<vmem>>, vector<64x128xf32>
    tpu.vector_store %arg3[%swap3A_448, %swap3A_449], %add3A_447 {strides = array<i32>} : memref<64x2048xf32, #tpu.memory_space<vmem>>, vector<64x128xf32>,
    %get3A_451 = arith.constant 0 : index
    %get3A_452 = arith.constant 18 : index
    %get3A_453 = arith.constant 0 : index
    %get3A_454 = vector.load %arg1[%get3A_451, %get3A_452, %get3A_453] : memref<64x32x128xf32, #tpu.memory_space<vmem>>, vector<64x1x128xf32>
    %get3A_455 = vector.shape_cast %get3A_454 : vector<64x1x128xf32> to vector<64x128xf32>
    %get3A_456 = arith.constant 0 : index
    %get3A_457 = arith.constant 19 : index
    %get3A_458 = arith.constant 0 : index
    %get3A_459 = vector.load %arg1[%get3A_456, %get3A_457, %get3A_458] : memref<64x32x128xf32, #tpu.memory_space<vmem>>, vector<64x1x128xf32>
    %get3A_460 = vector.shape_cast %get3A_459 : vector<64x1x128xf32> to vector<64x128xf32>
    %get3A_461 = arith.constant 0 : index
    %get3A_462 = arith.constant 18 : index
    %get3A_463 = arith.constant 0 : index
    %get3A_464 = vector.load %arg2[%get3A_461, %get3A_462, %get3A_463] : memref<64x32x128xf32, #tpu.memory_space<vmem>>, vector<64x1x128xf32>
    %get3A_465 = vector.shape_cast %get3A_464 : vector<64x1x128xf32> to vector<64x128xf32>
    %get3A_466 = arith.constant 0 : index
    %get3A_467 = arith.constant 19 : index
    %get3A_468 = arith.constant 0 : index
    %get3A_469 = vector.load %arg2[%get3A_466, %get3A_467, %get3A_468] : memref<64x32x128xf32, #tpu.memory_space<vmem>>, vector<64x1x128xf32>
    %get3A_470 = vector.shape_cast %get3A_469 : vector<64x1x128xf32> to vector<64x128xf32>
    %add3A_471 = arith.constant 9.99999968E-21 : f32
    %add3A_472 = vector.broadcast %add3A_471 : f32 to vector<64x128xf32>
    %add3A_473 = arith.addf %get3A_465, %add3A_472 : vector<64x128xf32>
    %log3A_474 = math.log %add3A_473 : vector<64x128xf32>
    %sub3A_475 = arith.constant 9.99999968E-21 : f32
    %sub3A_476 = vector.broadcast %sub3A_475 : f32 to vector<64x128xf32>
    %sub3A_477 = arith.subf %sub3A_476, %log3A_474 : vector<64x128xf32>
    %add3A_478 = arith.constant 9.99999968E-21 : f32
    %add3A_479 = vector.broadcast %add3A_478 : f32 to vector<64x128xf32>
    %add3A_480 = arith.addf %get3A_470, %add3A_479 : vector<64x128xf32>
    %log3A_481 = math.log %add3A_480 : vector<64x128xf32>
    %sub3A_482 = arith.constant 9.99999968E-21 : f32
    %sub3A_483 = vector.broadcast %sub3A_482 : f32 to vector<64x128xf32>
    %sub3A_484 = arith.subf %sub3A_483, %log3A_481 : vector<64x128xf32>
    %div3A_485 = arith.divf %sub3A_477, %sub3A_484 : vector<64x128xf32>
    %log3A_486 = math.log %div3A_485 : vector<64x128xf32>
    %sub3A_487 = arith.subf %get3A_455, %get3A_460 : vector<64x128xf32>
    %sub3A_488 = arith.subf %sub3A_487, %log3A_486 : vector<64x128xf32>
    %mul3A_489 = arith.constant 5.000000e-02 : f32
    %mul3A_490 = vector.broadcast %mul3A_489 : f32 to vector<64x128xf32>
    %mul3A_491 = arith.mulf %sub3A_488, %mul3A_490 : vector<64x128xf32>
    %tanh3A_492 = math.tanh %mul3A_491 : vector<64x128xf32>
    %mul3A_493 = arith.constant 5.000000e-01 : f32
    %mul3A_494 = vector.broadcast %mul3A_493 : f32 to vector<64x128xf32>
    %mul3A_495 = arith.mulf %mul3A_494, %tanh3A_492 : vector<64x128xf32>
    %add3A_496 = arith.constant 5.000000e-01 : f32
    %add3A_497 = vector.broadcast %add3A_496 : f32 to vector<64x128xf32>
    %add3A_498 = arith.addf %add3A_497, %mul3A_495 : vector<64x128xf32>
    %swap3A_499 = arith.constant 0 : index
    %swap3A_500 = arith.constant 1152 : index
    %swap3A_501 = vector.load %arg3[%swap3A_499, %swap3A_500] : memref<64x2048xf32, #tpu.memory_space<vmem>>, vector<64x128xf32>
    tpu.vector_store %arg3[%swap3A_499, %swap3A_500], %add3A_498 {strides = array<i32>} : memref<64x2048xf32, #tpu.memory_space<vmem>>, vector<64x128xf32>,
    %get3A_502 = arith.constant 0 : index
    %get3A_503 = arith.constant 20 : index
    %get3A_504 = arith.constant 0 : index
    %get3A_505 = vector.load %arg1[%get3A_502, %get3A_503, %get3A_504] : memref<64x32x128xf32, #tpu.memory_space<vmem>>, vector<64x1x128xf32>
    %get3A_506 = vector.shape_cast %get3A_505 : vector<64x1x128xf32> to vector<64x128xf32>
    %get3A_507 = arith.constant 0 : index
    %get3A_508 = arith.constant 21 : index
    %get3A_509 = arith.constant 0 : index
    %get3A_510 = vector.load %arg1[%get3A_507, %get3A_508, %get3A_509] : memref<64x32x128xf32, #tpu.memory_space<vmem>>, vector<64x1x128xf32>
    %get3A_511 = vector.shape_cast %get3A_510 : vector<64x1x128xf32> to vector<64x128xf32>
    %get3A_512 = arith.constant 0 : index
    %get3A_513 = arith.constant 20 : index
    %get3A_514 = arith.constant 0 : index
    %get3A_515 = vector.load %arg2[%get3A_512, %get3A_513, %get3A_514] : memref<64x32x128xf32, #tpu.memory_space<vmem>>, vector<64x1x128xf32>
    %get3A_516 = vector.shape_cast %get3A_515 : vector<64x1x128xf32> to vector<64x128xf32>
    %get3A_517 = arith.constant 0 : index
    %get3A_518 = arith.constant 21 : index
    %get3A_519 = arith.constant 0 : index
    %get3A_520 = vector.load %arg2[%get3A_517, %get3A_518, %get3A_519] : memref<64x32x128xf32, #tpu.memory_space<vmem>>, vector<64x1x128xf32>
    %get3A_521 = vector.shape_cast %get3A_520 : vector<64x1x128xf32> to vector<64x128xf32>
    %add3A_522 = arith.constant 9.99999968E-21 : f32
    %add3A_523 = vector.broadcast %add3A_522 : f32 to vector<64x128xf32>
    %add3A_524 = arith.addf %get3A_516, %add3A_523 : vector<64x128xf32>
    %log3A_525 = math.log %add3A_524 : vector<64x128xf32>
    %sub3A_526 = arith.constant 9.99999968E-21 : f32
    %sub3A_527 = vector.broadcast %sub3A_526 : f32 to vector<64x128xf32>
    %sub3A_528 = arith.subf %sub3A_527, %log3A_525 : vector<64x128xf32>
    %add3A_529 = arith.constant 9.99999968E-21 : f32
    %add3A_530 = vector.broadcast %add3A_529 : f32 to vector<64x128xf32>
    %add3A_531 = arith.addf %get3A_521, %add3A_530 : vector<64x128xf32>
    %log3A_532 = math.log %add3A_531 : vector<64x128xf32>
    %sub3A_533 = arith.constant 9.99999968E-21 : f32
    %sub3A_534 = vector.broadcast %sub3A_533 : f32 to vector<64x128xf32>
    %sub3A_535 = arith.subf %sub3A_534, %log3A_532 : vector<64x128xf32>
    %div3A_536 = arith.divf %sub3A_528, %sub3A_535 : vector<64x128xf32>
    %log3A_537 = math.log %div3A_536 : vector<64x128xf32>
    %sub3A_538 = arith.subf %get3A_506, %get3A_511 : vector<64x128xf32>
    %sub3A_539 = arith.subf %sub3A_538, %log3A_537 : vector<64x128xf32>
    %mul3A_540 = arith.constant 5.000000e-02 : f32
    %mul3A_541 = vector.broadcast %mul3A_540 : f32 to vector<64x128xf32>
    %mul3A_542 = arith.mulf %sub3A_539, %mul3A_541 : vector<64x128xf32>
    %tanh3A_543 = math.tanh %mul3A_542 : vector<64x128xf32>
    %mul3A_544 = arith.constant 5.000000e-01 : f32
    %mul3A_545 = vector.broadcast %mul3A_544 : f32 to vector<64x128xf32>
    %mul3A_546 = arith.mulf %mul3A_545, %tanh3A_543 : vector<64x128xf32>
    %add3A_547 = arith.constant 5.000000e-01 : f32
    %add3A_548 = vector.broadcast %add3A_547 : f32 to vector<64x128xf32>
    %add3A_549 = arith.addf %add3A_548, %mul3A_546 : vector<64x128xf32>
    %swap3A_550 = arith.constant 0 : index
    %swap3A_551 = arith.constant 1280 : index
    %swap3A_552 = vector.load %arg3[%swap3A_550, %swap3A_551] : memref<64x2048xf32, #tpu.memory_space<vmem>>, vector<64x128xf32>
    tpu.vector_store %arg3[%swap3A_550, %swap3A_551], %add3A_549 {strides = array<i32>} : memref<64x2048xf32, #tpu.memory_space<vmem>>, vector<64x128xf32>,
    %get3A_553 = arith.constant 0 : index
    %get3A_554 = arith.constant 22 : index
    %get3A_555 = arith.constant 0 : index
    %get3A_556 = vector.load %arg1[%get3A_553, %get3A_554, %get3A_555] : memref<64x32x128xf32, #tpu.memory_space<vmem>>, vector<64x1x128xf32>
    %get3A_557 = vector.shape_cast %get3A_556 : vector<64x1x128xf32> to vector<64x128xf32>
    %get3A_558 = arith.constant 0 : index
    %get3A_559 = arith.constant 23 : index
    %get3A_560 = arith.constant 0 : index
    %get3A_561 = vector.load %arg1[%get3A_558, %get3A_559, %get3A_560] : memref<64x32x128xf32, #tpu.memory_space<vmem>>, vector<64x1x128xf32>
    %get3A_562 = vector.shape_cast %get3A_561 : vector<64x1x128xf32> to vector<64x128xf32>
    %get3A_563 = arith.constant 0 : index
    %get3A_564 = arith.constant 22 : index
    %get3A_565 = arith.constant 0 : index
    %get3A_566 = vector.load %arg2[%get3A_563, %get3A_564, %get3A_565] : memref<64x32x128xf32, #tpu.memory_space<vmem>>, vector<64x1x128xf32>
    %get3A_567 = vector.shape_cast %get3A_566 : vector<64x1x128xf32> to vector<64x128xf32>
    %get3A_568 = arith.constant 0 : index
    %get3A_569 = arith.constant 23 : index
    %get3A_570 = arith.constant 0 : index
    %get3A_571 = vector.load %arg2[%get3A_568, %get3A_569, %get3A_570] : memref<64x32x128xf32, #tpu.memory_space<vmem>>, vector<64x1x128xf32>
    %get3A_572 = vector.shape_cast %get3A_571 : vector<64x1x128xf32> to vector<64x128xf32>
    %add3A_573 = arith.constant 9.99999968E-21 : f32
    %add3A_574 = vector.broadcast %add3A_573 : f32 to vector<64x128xf32>
    %add3A_575 = arith.addf %get3A_567, %add3A_574 : vector<64x128xf32>
    %log3A_576 = math.log %add3A_575 : vector<64x128xf32>
    %sub3A_577 = arith.constant 9.99999968E-21 : f32
    %sub3A_578 = vector.broadcast %sub3A_577 : f32 to vector<64x128xf32>
    %sub3A_579 = arith.subf %sub3A_578, %log3A_576 : vector<64x128xf32>
    %add3A_580 = arith.constant 9.99999968E-21 : f32
    %add3A_581 = vector.broadcast %add3A_580 : f32 to vector<64x128xf32>
    %add3A_582 = arith.addf %get3A_572, %add3A_581 : vector<64x128xf32>
    %log3A_583 = math.log %add3A_582 : vector<64x128xf32>
    %sub3A_584 = arith.constant 9.99999968E-21 : f32
    %sub3A_585 = vector.broadcast %sub3A_584 : f32 to vector<64x128xf32>
    %sub3A_586 = arith.subf %sub3A_585, %log3A_583 : vector<64x128xf32>
    %div3A_587 = arith.divf %sub3A_579, %sub3A_586 : vector<64x128xf32>
    %log3A_588 = math.log %div3A_587 : vector<64x128xf32>
    %sub3A_589 = arith.subf %get3A_557, %get3A_562 : vector<64x128xf32>
    %sub3A_590 = arith.subf %sub3A_589, %log3A_588 : vector<64x128xf32>
    %mul3A_591 = arith.constant 5.000000e-02 : f32
    %mul3A_592 = vector.broadcast %mul3A_591 : f32 to vector<64x128xf32>
    %mul3A_593 = arith.mulf %sub3A_590, %mul3A_592 : vector<64x128xf32>
    %tanh3A_594 = math.tanh %mul3A_593 : vector<64x128xf32>
    %mul3A_595 = arith.constant 5.000000e-01 : f32
    %mul3A_596 = vector.broadcast %mul3A_595 : f32 to vector<64x128xf32>
    %mul3A_597 = arith.mulf %mul3A_596, %tanh3A_594 : vector<64x128xf32>
    %add3A_598 = arith.constant 5.000000e-01 : f32
    %add3A_599 = vector.broadcast %add3A_598 : f32 to vector<64x128xf32>
    %add3A_600 = arith.addf %add3A_599, %mul3A_597 : vector<64x128xf32>
    %swap3A_601 = arith.constant 0 : index
    %swap3A_602 = arith.constant 1408 : index
    %swap3A_603 = vector.load %arg3[%swap3A_601, %swap3A_602] : memref<64x2048xf32, #tpu.memory_space<vmem>>, vector<64x128xf32>
    tpu.vector_store %arg3[%swap3A_601, %swap3A_602], %add3A_600 {strides = array<i32>} : memref<64x2048xf32, #tpu.memory_space<vmem>>, vector<64x128xf32>,
    %get3A_604 = arith.constant 0 : index
    %get3A_605 = arith.constant 24 : index
    %get3A_606 = arith.constant 0 : index
    %get3A_607 = vector.load %arg1[%get3A_604, %get3A_605, %get3A_606] : memref<64x32x128xf32, #tpu.memory_space<vmem>>, vector<64x1x128xf32>
    %get3A_608 = vector.shape_cast %get3A_607 : vector<64x1x128xf32> to vector<64x128xf32>
    %get3A_609 = arith.constant 0 : index
    %get3A_610 = arith.constant 25 : index
    %get3A_611 = arith.constant 0 : index
    %get3A_612 = vector.load %arg1[%get3A_609, %get3A_610, %get3A_611] : memref<64x32x128xf32, #tpu.memory_space<vmem>>, vector<64x1x128xf32>
    %get3A_613 = vector.shape_cast %get3A_612 : vector<64x1x128xf32> to vector<64x128xf32>
    %get3A_614 = arith.constant 0 : index
    %get3A_615 = arith.constant 24 : index
    %get3A_616 = arith.constant 0 : index
    %get3A_617 = vector.load %arg2[%get3A_614, %get3A_615, %get3A_616] : memref<64x32x128xf32, #tpu.memory_space<vmem>>, vector<64x1x128xf32>
    %get3A_618 = vector.shape_cast %get3A_617 : vector<64x1x128xf32> to vector<64x128xf32>
    %get3A_619 = arith.constant 0 : index
    %get3A_620 = arith.constant 25 : index
    %get3A_621 = arith.constant 0 : index
    %get3A_622 = vector.load %arg2[%get3A_619, %get3A_620, %get3A_621] : memref<64x32x128xf32, #tpu.memory_space<vmem>>, vector<64x1x128xf32>
    %get3A_623 = vector.shape_cast %get3A_622 : vector<64x1x128xf32> to vector<64x128xf32>
    %add3A_624 = arith.constant 9.99999968E-21 : f32
    %add3A_625 = vector.broadcast %add3A_624 : f32 to vector<64x128xf32>
    %add3A_626 = arith.addf %get3A_618, %add3A_625 : vector<64x128xf32>
    %log3A_627 = math.log %add3A_626 : vector<64x128xf32>
    %sub3A_628 = arith.constant 9.99999968E-21 : f32
    %sub3A_629 = vector.broadcast %sub3A_628 : f32 to vector<64x128xf32>
    %sub3A_630 = arith.subf %sub3A_629, %log3A_627 : vector<64x128xf32>
    %add3A_631 = arith.constant 9.99999968E-21 : f32
    %add3A_632 = vector.broadcast %add3A_631 : f32 to vector<64x128xf32>
    %add3A_633 = arith.addf %get3A_623, %add3A_632 : vector<64x128xf32>
    %log3A_634 = math.log %add3A_633 : vector<64x128xf32>
    %sub3A_635 = arith.constant 9.99999968E-21 : f32
    %sub3A_636 = vector.broadcast %sub3A_635 : f32 to vector<64x128xf32>
    %sub3A_637 = arith.subf %sub3A_636, %log3A_634 : vector<64x128xf32>
    %div3A_638 = arith.divf %sub3A_630, %sub3A_637 : vector<64x128xf32>
    %log3A_639 = math.log %div3A_638 : vector<64x128xf32>
    %sub3A_640 = arith.subf %get3A_608, %get3A_613 : vector<64x128xf32>
    %sub3A_641 = arith.subf %sub3A_640, %log3A_639 : vector<64x128xf32>
    %mul3A_642 = arith.constant 5.000000e-02 : f32
    %mul3A_643 = vector.broadcast %mul3A_642 : f32 to vector<64x128xf32>
    %mul3A_644 = arith.mulf %sub3A_641, %mul3A_643 : vector<64x128xf32>
    %tanh3A_645 = math.tanh %mul3A_644 : vector<64x128xf32>
    %mul3A_646 = arith.constant 5.000000e-01 : f32
    %mul3A_647 = vector.broadcast %mul3A_646 : f32 to vector<64x128xf32>
    %mul3A_648 = arith.mulf %mul3A_647, %tanh3A_645 : vector<64x128xf32>
    %add3A_649 = arith.constant 5.000000e-01 : f32
    %add3A_650 = vector.broadcast %add3A_649 : f32 to vector<64x128xf32>
    %add3A_651 = arith.addf %add3A_650, %mul3A_648 : vector<64x128xf32>
    %swap3A_652 = arith.constant 0 : index
    %swap3A_653 = arith.constant 1536 : index
    %swap3A_654 = vector.load %arg3[%swap3A_652, %swap3A_653] : memref<64x2048xf32, #tpu.memory_space<vmem>>, vector<64x128xf32>
    tpu.vector_store %arg3[%swap3A_652, %swap3A_653], %add3A_651 {strides = array<i32>} : memref<64x2048xf32, #tpu.memory_space<vmem>>, vector<64x128xf32>,
    %get3A_655 = arith.constant 0 : index
    %get3A_656 = arith.constant 26 : index
    %get3A_657 = arith.constant 0 : index
    %get3A_658 = vector.load %arg1[%get3A_655, %get3A_656, %get3A_657] : memref<64x32x128xf32, #tpu.memory_space<vmem>>, vector<64x1x128xf32>
    %get3A_659 = vector.shape_cast %get3A_658 : vector<64x1x128xf32> to vector<64x128xf32>
    %get3A_660 = arith.constant 0 : index
    %get3A_661 = arith.constant 27 : index
    %get3A_662 = arith.constant 0 : index
    %get3A_663 = vector.load %arg1[%get3A_660, %get3A_661, %get3A_662] : memref<64x32x128xf32, #tpu.memory_space<vmem>>, vector<64x1x128xf32>
    %get3A_664 = vector.shape_cast %get3A_663 : vector<64x1x128xf32> to vector<64x128xf32>
    %get3A_665 = arith.constant 0 : index
    %get3A_666 = arith.constant 26 : index
    %get3A_667 = arith.constant 0 : index
    %get3A_668 = vector.load %arg2[%get3A_665, %get3A_666, %get3A_667] : memref<64x32x128xf32, #tpu.memory_space<vmem>>, vector<64x1x128xf32>
    %get3A_669 = vector.shape_cast %get3A_668 : vector<64x1x128xf32> to vector<64x128xf32>
    %get3A_670 = arith.constant 0 : index
    %get3A_671 = arith.constant 27 : index
    %get3A_672 = arith.constant 0 : index
    %get3A_673 = vector.load %arg2[%get3A_670, %get3A_671, %get3A_672] : memref<64x32x128xf32, #tpu.memory_space<vmem>>, vector<64x1x128xf32>
    %get3A_674 = vector.shape_cast %get3A_673 : vector<64x1x128xf32> to vector<64x128xf32>
    %add3A_675 = arith.constant 9.99999968E-21 : f32
    %add3A_676 = vector.broadcast %add3A_675 : f32 to vector<64x128xf32>
    %add3A_677 = arith.addf %get3A_669, %add3A_676 : vector<64x128xf32>
    %log3A_678 = math.log %add3A_677 : vector<64x128xf32>
    %sub3A_679 = arith.constant 9.99999968E-21 : f32
    %sub3A_680 = vector.broadcast %sub3A_679 : f32 to vector<64x128xf32>
    %sub3A_681 = arith.subf %sub3A_680, %log3A_678 : vector<64x128xf32>
    %add3A_682 = arith.constant 9.99999968E-21 : f32
    %add3A_683 = vector.broadcast %add3A_682 : f32 to vector<64x128xf32>
    %add3A_684 = arith.addf %get3A_674, %add3A_683 : vector<64x128xf32>
    %log3A_685 = math.log %add3A_684 : vector<64x128xf32>
    %sub3A_686 = arith.constant 9.99999968E-21 : f32
    %sub3A_687 = vector.broadcast %sub3A_686 : f32 to vector<64x128xf32>
    %sub3A_688 = arith.subf %sub3A_687, %log3A_685 : vector<64x128xf32>
    %div3A_689 = arith.divf %sub3A_681, %sub3A_688 : vector<64x128xf32>
    %log3A_690 = math.log %div3A_689 : vector<64x128xf32>
    %sub3A_691 = arith.subf %get3A_659, %get3A_664 : vector<64x128xf32>
    %sub3A_692 = arith.subf %sub3A_691, %log3A_690 : vector<64x128xf32>
    %mul3A_693 = arith.constant 5.000000e-02 : f32
    %mul3A_694 = vector.broadcast %mul3A_693 : f32 to vector<64x128xf32>
    %mul3A_695 = arith.mulf %sub3A_692, %mul3A_694 : vector<64x128xf32>
    %tanh3A_696 = math.tanh %mul3A_695 : vector<64x128xf32>
    %mul3A_697 = arith.constant 5.000000e-01 : f32
    %mul3A_698 = vector.broadcast %mul3A_697 : f32 to vector<64x128xf32>
    %mul3A_699 = arith.mulf %mul3A_698, %tanh3A_696 : vector<64x128xf32>
    %add3A_700 = arith.constant 5.000000e-01 : f32
    %add3A_701 = vector.broadcast %add3A_700 : f32 to vector<64x128xf32>
    %add3A_702 = arith.addf %add3A_701, %mul3A_699 : vector<64x128xf32>
    %swap3A_703 = arith.constant 0 : index
    %swap3A_704 = arith.constant 1664 : index
    %swap3A_705 = vector.load %arg3[%swap3A_703, %swap3A_704] : memref<64x2048xf32, #tpu.memory_space<vmem>>, vector<64x128xf32>
    tpu.vector_store %arg3[%swap3A_703, %swap3A_704], %add3A_702 {strides = array<i32>} : memref<64x2048xf32, #tpu.memory_space<vmem>>, vector<64x128xf32>,
    %get3A_706 = arith.constant 0 : index
    %get3A_707 = arith.constant 28 : index
    %get3A_708 = arith.constant 0 : index
    %get3A_709 = vector.load %arg1[%get3A_706, %get3A_707, %get3A_708] : memref<64x32x128xf32, #tpu.memory_space<vmem>>, vector<64x1x128xf32>
    %get3A_710 = vector.shape_cast %get3A_709 : vector<64x1x128xf32> to vector<64x128xf32>
    %get3A_711 = arith.constant 0 : index
    %get3A_712 = arith.constant 29 : index
    %get3A_713 = arith.constant 0 : index
    %get3A_714 = vector.load %arg1[%get3A_711, %get3A_712, %get3A_713] : memref<64x32x128xf32, #tpu.memory_space<vmem>>, vector<64x1x128xf32>
    %get3A_715 = vector.shape_cast %get3A_714 : vector<64x1x128xf32> to vector<64x128xf32>
    %get3A_716 = arith.constant 0 : index
    %get3A_717 = arith.constant 28 : index
    %get3A_718 = arith.constant 0 : index
    %get3A_719 = vector.load %arg2[%get3A_716, %get3A_717, %get3A_718] : memref<64x32x128xf32, #tpu.memory_space<vmem>>, vector<64x1x128xf32>
    %get3A_720 = vector.shape_cast %get3A_719 : vector<64x1x128xf32> to vector<64x128xf32>
    %get3A_721 = arith.constant 0 : index
    %get3A_722 = arith.constant 29 : index
    %get3A_723 = arith.constant 0 : index
    %get3A_724 = vector.load %arg2[%get3A_721, %get3A_722, %get3A_723] : memref<64x32x128xf32, #tpu.memory_space<vmem>>, vector<64x1x128xf32>
    %get3A_725 = vector.shape_cast %get3A_724 : vector<64x1x128xf32> to vector<64x128xf32>
    %add3A_726 = arith.constant 9.99999968E-21 : f32
    %add3A_727 = vector.broadcast %add3A_726 : f32 to vector<64x128xf32>
    %add3A_728 = arith.addf %get3A_720, %add3A_727 : vector<64x128xf32>
    %log3A_729 = math.log %add3A_728 : vector<64x128xf32>
    %sub3A_730 = arith.constant 9.99999968E-21 : f32
    %sub3A_731 = vector.broadcast %sub3A_730 : f32 to vector<64x128xf32>
    %sub3A_732 = arith.subf %sub3A_731, %log3A_729 : vector<64x128xf32>
    %add3A_733 = arith.constant 9.99999968E-21 : f32
    %add3A_734 = vector.broadcast %add3A_733 : f32 to vector<64x128xf32>
    %add3A_735 = arith.addf %get3A_725, %add3A_734 : vector<64x128xf32>
    %log3A_736 = math.log %add3A_735 : vector<64x128xf32>
    %sub3A_737 = arith.constant 9.99999968E-21 : f32
    %sub3A_738 = vector.broadcast %sub3A_737 : f32 to vector<64x128xf32>
    %sub3A_739 = arith.subf %sub3A_738, %log3A_736 : vector<64x128xf32>
    %div3A_740 = arith.divf %sub3A_732, %sub3A_739 : vector<64x128xf32>
    %log3A_741 = math.log %div3A_740 : vector<64x128xf32>
    %sub3A_742 = arith.subf %get3A_710, %get3A_715 : vector<64x128xf32>
    %sub3A_743 = arith.subf %sub3A_742, %log3A_741 : vector<64x128xf32>
    %mul3A_744 = arith.constant 5.000000e-02 : f32
    %mul3A_745 = vector.broadcast %mul3A_744 : f32 to vector<64x128xf32>
    %mul3A_746 = arith.mulf %sub3A_743, %mul3A_745 : vector<64x128xf32>
    %tanh3A_747 = math.tanh %mul3A_746 : vector<64x128xf32>
    %mul3A_748 = arith.constant 5.000000e-01 : f32
    %mul3A_749 = vector.broadcast %mul3A_748 : f32 to vector<64x128xf32>
    %mul3A_750 = arith.mulf %mul3A_749, %tanh3A_747 : vector<64x128xf32>
    %add3A_751 = arith.constant 5.000000e-01 : f32
    %add3A_752 = vector.broadcast %add3A_751 : f32 to vector<64x128xf32>
    %add3A_753 = arith.addf %add3A_752, %mul3A_750 : vector<64x128xf32>
    %swap3A_754 = arith.constant 0 : index
    %swap3A_755 = arith.constant 1792 : index
    %swap3A_756 = vector.load %arg3[%swap3A_754, %swap3A_755] : memref<64x2048xf32, #tpu.memory_space<vmem>>, vector<64x128xf32>
    tpu.vector_store %arg3[%swap3A_754, %swap3A_755], %add3A_753 {strides = array<i32>} : memref<64x2048xf32, #tpu.memory_space<vmem>>, vector<64x128xf32>,
    %get3A_757 = arith.constant 0 : index
    %get3A_758 = arith.constant 30 : index
    %get3A_759 = arith.constant 0 : index
    %get3A_760 = vector.load %arg1[%get3A_757, %get3A_758, %get3A_759] : memref<64x32x128xf32, #tpu.memory_space<vmem>>, vector<64x1x128xf32>
    %get3A_761 = vector.shape_cast %get3A_760 : vector<64x1x128xf32> to vector<64x128xf32>
    %get3A_762 = arith.constant 0 : index
    %get3A_763 = arith.constant 31 : index
    %get3A_764 = arith.constant 0 : index
    %get3A_765 = vector.load %arg1[%get3A_762, %get3A_763, %get3A_764] : memref<64x32x128xf32, #tpu.memory_space<vmem>>, vector<64x1x128xf32>
    %get3A_766 = vector.shape_cast %get3A_765 : vector<64x1x128xf32> to vector<64x128xf32>
    %get3A_767 = arith.constant 0 : index
    %get3A_768 = arith.constant 30 : index
    %get3A_769 = arith.constant 0 : index
    %get3A_770 = vector.load %arg2[%get3A_767, %get3A_768, %get3A_769] : memref<64x32x128xf32, #tpu.memory_space<vmem>>, vector<64x1x128xf32>
    %get3A_771 = vector.shape_cast %get3A_770 : vector<64x1x128xf32> to vector<64x128xf32>
    %get3A_772 = arith.constant 0 : index
    %get3A_773 = arith.constant 31 : index
    %get3A_774 = arith.constant 0 : index
    %get3A_775 = vector.load %arg2[%get3A_772, %get3A_773, %get3A_774] : memref<64x32x128xf32, #tpu.memory_space<vmem>>, vector<64x1x128xf32>
    %get3A_776 = vector.shape_cast %get3A_775 : vector<64x1x128xf32> to vector<64x128xf32>
    %add3A_777 = arith.constant 9.99999968E-21 : f32
    %add3A_778 = vector.broadcast %add3A_777 : f32 to vector<64x128xf32>
    %add3A_779 = arith.addf %get3A_771, %add3A_778 : vector<64x128xf32>
    %log3A_780 = math.log %add3A_779 : vector<64x128xf32>
    %sub3A_781 = arith.constant 9.99999968E-21 : f32
    %sub3A_782 = vector.broadcast %sub3A_781 : f32 to vector<64x128xf32>
    %sub3A_783 = arith.subf %sub3A_782, %log3A_780 : vector<64x128xf32>
    %add3A_784 = arith.constant 9.99999968E-21 : f32
    %add3A_785 = vector.broadcast %add3A_784 : f32 to vector<64x128xf32>
    %add3A_786 = arith.addf %get3A_776, %add3A_785 : vector<64x128xf32>
    %log3A_787 = math.log %add3A_786 : vector<64x128xf32>
    %sub3A_788 = arith.constant 9.99999968E-21 : f32
    %sub3A_789 = vector.broadcast %sub3A_788 : f32 to vector<64x128xf32>
    %sub3A_790 = arith.subf %sub3A_789, %log3A_787 : vector<64x128xf32>
    %div3A_791 = arith.divf %sub3A_783, %sub3A_790 : vector<64x128xf32>
    %log3A_792 = math.log %div3A_791 : vector<64x128xf32>
    %sub3A_793 = arith.subf %get3A_761, %get3A_766 : vector<64x128xf32>
    %sub3A_794 = arith.subf %sub3A_793, %log3A_792 : vector<64x128xf32>
    %mul3A_795 = arith.constant 5.000000e-02 : f32
    %mul3A_796 = vector.broadcast %mul3A_795 : f32 to vector<64x128xf32>
    %mul3A_797 = arith.mulf %sub3A_794, %mul3A_796 : vector<64x128xf32>
    %tanh3A_798 = math.tanh %mul3A_797 : vector<64x128xf32>
    %mul3A_799 = arith.constant 5.000000e-01 : f32
    %mul3A_800 = vector.broadcast %mul3A_799 : f32 to vector<64x128xf32>
    %mul3A_801 = arith.mulf %mul3A_800, %tanh3A_798 : vector<64x128xf32>
    %add3A_802 = arith.constant 5.000000e-01 : f32
    %add3A_803 = vector.broadcast %add3A_802 : f32 to vector<64x128xf32>
    %add3A_804 = arith.addf %add3A_803, %mul3A_801 : vector<64x128xf32>
    %swap3A_805 = arith.constant 0 : index
    %swap3A_806 = arith.constant 1920 : index
    %swap3A_807 = vector.load %arg3[%swap3A_805, %swap3A_806] : memref<64x2048xf32, #tpu.memory_space<vmem>>, vector<64x128xf32>
    tpu.vector_store %arg3[%swap3A_805, %swap3A_806], %add3A_804 {strides = array<i32>} : memref<64x2048xf32, #tpu.memory_space<vmem>>, vector<64x128xf32>,
    return
  }
  func.func @transform_0(%arg0: i32) -> (i32, i32, i32) {
    %add3A = arith.constant 14 : i32
    %add3A_0 = arith.addi %arg0, %add3A : i32
    %c0_i32 = arith.constant 0 : i32
    %c0_i32_1 = arith.constant 0 : i32
    %c0_i32_2 = arith.constant 0 : i32
    return %add3A_0, %c0_i32, %c0_i32_1 : i32, i32, i32
  }
  func.func @transform_1(%arg0: i32) -> (i32, i32, i32) {
    %add3A = arith.constant 14 : i32
    %add3A_0 = arith.addi %arg0, %add3A : i32
    %c0_i32 = arith.constant 0 : i32
    %c0_i32_1 = arith.constant 0 : i32
    %c0_i32_2 = arith.constant 0 : i32
    return %add3A_0, %c0_i32, %c0_i32_1 : i32, i32, i32
  }
  func.func @transform_2(%arg0: i32) -> (i32, i32) {
    %add3A = arith.constant 14 : i32
    %add3A_0 = arith.addi %arg0, %add3A : i32
    %c0_i32 = arith.constant 0 : i32
    %c0_i32_1 = arith.constant 0 : i32
    return %add3A_0, %c0_i32 : i32, i32
  }
}

</mosaic_0001>

<sc_bundles>
// kernel: kernel.4.cloned.1.call-start
scs
__scs_entry_jumppad:
0x0: {  	(pc) =	sbr.rel $0x88, $3  }
0x1: {  	(tag) =	ssettag $0x0;
	lr =	simm.s32 $0x1  }
0x2: {  	[smem:$0x3F9F] =	sst lr;
	_ =	strace $0xD0000000  }
0x3: {  	_ = 	snop  }
0x4: {  	_ = 	snop  }
0x5: {  	_ = 	snop  }
0x6: {  	_ = 	snop  }
0x7: {  	_ = 	snop  }
__scs_overlays_trampoline_lowered:
0x8: {  	[smem:$0x3FAE] =	sst s0  }
0x9: {  	[smem:$0x3FAF] =	sst s1  }
0xa: {  	[smem:$0x3FB0] =	sst s2  }
0xb: {  	[smem:$0x3FB1] =	sst s3  }
0xc: {  	[smem:$0x3FB2] =	sst s4  }
0xd: {  	[smem:$0x3FB3] =	sst s5  }
0xe: {  	[smem:$0x3FB4] =	sst s6  }
0xf: {  	[smem:$0x3FB5] =	sst s7  }
0x10: {  	[smem:$0x3FB6] =	sst s8  }
0x11: {  	[smem:$0x3FB7] =	sst s9;
	s0 =	simm.s32 @!p0 $0x0  }
0x12: {  	s1 =	sld [smem:$0x3F9D];
	s0 =	simm.s32 @p0 $0x1  }
0x13: {  	[smem:$0x3FB8] =	sst s0;
	s0 =	simm.s32 @!p1 $0x0  }
0x14: {  	s2 =	sld [smem:$0x3F9C];
	s0 =	simm.s32 @p1 $0x1  }
0x15: {  	[smem:$0x3FB9] =	sst s0;
	s0 =	simm.s32 @!p2 $0x0  }
0x16: {  	s3 =	sld [smem:$0x3FDB];
	s0 =	simm.s32 @p2 $0x1  }
0x17: {  	s4 =	simm.s32 $0x1BF5;
	[smem:$0x3FBB] =	sst s0  }
0x18: {  	s0 =	sld [smem:$0x3F9E];
	_ =	swait.ge [sflag:s4], $0x0  }
0x19: {  	s7 =	sld [smem:$0x3F9F]  }
0x1a: {  	s8 =	sadd.s32 $0xFFFFE003, lr  }
0x1b: {  	s9 =	sadd.s32 $0xFFFFFEF7, lr;
	s5 =	simm.s32 $0xFFFFFFFF;
	p2 =	slt.u32 s8, $0xFFFFF086  }
0x1c: {  	p1 =	slt.u32 s9, $0xF7A;
	s5 =	simm.s32 @!p2 $0x0  }
0x1d: {  	s5 =	simm.s32 @p1 $0x1;
	p0 =	seq.s32 s7, s2  }
0x1e: {  	s7 =	smul.u32 @!p0 $0xF7A, s2;
	p2 =	seq.s32 @!p0 s5, $0x0  }
0x1f: {  	s9 =	smul.u32 $0xF7A, s1;
	s8 =	simm.s32 @!p0 $0x1BF5;
	p2 =	por !p2, p0  }
0x20: {  	[sflag:s8] =	ssyncset.s32 @!p0 $0xFFFFF086;
	s6 =	sadd.s32 @!p0 s3, s7;
	s7 =	simm.s32 @!p0 $0x108  }
0x21: {  	s3 =	sadd.s32 s3, s9;
	s6 =	sadd.s32 @!p0 $0x88, s6;
	s7 =	simm.s32 @p2 $0x1082  }
0x22: {  	[simem:s7], [sflag:s8] =	dma.local @!p0 [hbm:s6], $0xF7A  }
0x23: {  	s9 =	sor.u32 $0xD0000000, s2;
	s6 =	simm.s32 $0x108;
	_ =	swait.ge @!p0 [sflag:s8], $0x0  }
0x24: {  	s3 =	sadd.s32 $0x88, s3;
	s6 =	simm.s32 @!p1 $0x1082;
	[sflag:s4] =	ssyncset.s32 $0xFFFFF086  }
0x25: {  	[simem:s6], [sflag:s4] =	dma.local [hbm:s3], $0xF7A  }
0x26: {  	[smem:$0x3F9F] =	sst s1;
	(tag) =	ssettag s2;
	_ =	strace s9  }
0x27: {  	s1 =	sld [smem:$0x3FAF]  }
0x28: {  	s2 =	sld [smem:$0x3FB0]  }
0x29: {  	s4 =	sld [smem:$0x3FB2]  }
0x2a: {  	p0 =	seq.s32 s5, $0x0;
	s5 =	sld [smem:$0x3FB3]  }
0x2b: {  	s6 =	sld [smem:$0x3FB4]  }
0x2c: {  	s7 =	sld [smem:$0x3FB5]  }
0x2d: {  	s3 =	simm.s32 $0x108;
	s8 =	sld [smem:$0x3FB6]  }
0x2e: {  	s3 =	simm.s32 @!p0 $0x1082;
	s9 =	sld [smem:$0x3FB7]  }
0x2f: {  	lr =	sadd.s32 s0, s3;
	s0 =	sld [smem:$0x3FAE]  }
0x30: {  	s3 =	sld [smem:$0x3FB1]  }
0x31: {  	[smem:$0x3FBA] =	sst s10  }
0x32: {  	s10 =	sld [smem:$0x3FB8];
	_ =	sdelay $0x3  }
0x33: {  	p0 =	seq.s32 s10, $0x1;
	s10 =	sld [smem:$0x3FBA];
	_ =	sdelay $0x3  }
0x34: {  	[smem:$0x3FBA] =	sst s10  }
0x35: {  	s10 =	sld [smem:$0x3FB9];
	_ =	sdelay $0x3  }
0x36: {  	p1 =	seq.s32 s10, $0x1;
	s10 =	sld [smem:$0x3FBA];
	_ =	sdelay $0x3  }
0x37: {  	[smem:$0x3FBA] =	sst s10  }
0x38: {  	s10 =	sld [smem:$0x3FBB]  }
0x39: {  	_ = 	snop;
	(pc) =	sbr.ind lr, $3  }
0x3a: {  	_ = 	snop  }
0x3b: {  	_ = 	snop  }
0x3c: {  	p2 =	seq.s32 s10, $0x1;
	s10 =	sld [smem:$0x3FBA]  }
0x3d: {  	_ =	shalt  }
0x3e: {  	_ =	shalt  }
0x3f: {  	_ =	shalt  }
0x40: {  	_ =	shalt  }
0x41: {  	_ =	shalt  }
0x42: {  	_ =	shalt  }
0x43: {  	_ =	shalt  }
0x44: {  	_ =	shalt  }
0x45: {  	_ =	shalt  }
0x46: {  	_ =	shalt  }
0x47: {  	_ =	shalt  }
0x48: {  	_ =	shalt  }
0x49: {  	_ =	shalt  }
0x4a: {  	_ =	shalt  }
0x4b: {  	_ =	shalt  }
0x4c: {  	_ =	shalt  }
0x4d: {  	_ =	shalt  }
0x4e: {  	_ =	shalt  }
0x4f: {  	_ =	shalt  }
0x50: {  	_ =	shalt  }
0x51: {  	_ =	shalt  }
0x52: {  	_ =	shalt  }
0x53: {  	_ =	shalt  }
0x54: {  	_ =	shalt  }
0x55: {  	_ =	shalt  }
0x56: {  	_ =	shalt  }
0x57: {  	_ =	shalt  }
0x58: {  	_ =	shalt  }
0x59: {  	_ =	shalt  }
0x5a: {  	_ =	shalt  }
0x5b: {  	_ =	shalt  }
0x5c: {  	_ =	shalt  }
0x5d: {  	_ =	shalt  }
0x5e: {  	_ =	shalt  }
0x5f: {  	_ =	shalt  }
0x60: {  	_ =	shalt  }
0x61: {  	_ =	shalt  }
0x62: {  	_ =	shalt  }
0x63: {  	_ =	shalt  }
0x64: {  	_ =	shalt  }
0x65: {  	_ =	shalt  }
0x66: {  	_ =	shalt  }
0x67: {  	_ =	shalt  }
0x68: {  	_ =	shalt  }
0x69: {  	_ =	shalt  }
0x6a: {  	_ =	shalt  }
0x6b: {  	_ =	shalt  }
0x6c: {  	_ =	shalt  }
0x6d: {  	_ =	shalt  }
0x6e: {  	_ =	shalt  }
0x6f: {  	_ =	shalt  }
0x70: {  	_ =	shalt  }
0x71: {  	_ =	shalt  }
0x72: {  	_ =	shalt  }
0x73: {  	_ =	shalt  }
0x74: {  	_ =	shalt  }
0x75: {  	_ =	shalt  }
0x76: {  	_ =	shalt  }
0x77: {  	_ =	shalt  }
0x78: {  	_ =	shalt  }
0x79: {  	_ =	shalt  }
0x7a: {  	_ =	shalt  }
0x7b: {  	_ =	shalt  }
0x7c: {  	_ =	shalt  }
0x7d: {  	_ =	shalt  }
0x7e: {  	_ =	shalt  }
0x7f: {  	_ =	shalt  }
0x80: {  	_ =	shalt  }
0x81: {  	_ =	shalt  }
0x82: {  	_ =	shalt  }
0x83: {  	_ =	shalt  }
0x84: {  	_ =	shalt  }
0x85: {  	_ =	shalt  }
0x86: {  	_ =	shalt  }
0x87: {  	_ =	shalt  }
.Lfunc_end0:
.L_simem_size_0:
called_computation_lowered:
.L_overlay_start_0:
0x88: {  	s2 =	sld [smem:$0x3FD9]  }
0x89: {  	s3 =	sld [smem:$0x3FFE];
	_ =	sdelay $0x1  }
0x8a: {  	s1 =	srdreg.scid  }
0x8b: {  	s0 =	sand.u32 $0x1, s1  }
0x8c: {  	s17 =	sshll.u32 s0, $0xA;
	s2 =	sadd.s32 s3, s2  }
0x8d: {  	s2 =	sadd.s32 s2, s17  }
0x8e: {  	[smem:$0x3FC6] =	sst s2  }
0x8f: {  	_ = 	snop  }
0x90: {  	s2 =	sld [smem:$0x3FC9]  }
0x91: {  	s18 =	sld [smem:$0x3FC8];
	(tm) =	ssettm $0x1  }
0x92: {  	s4 =	sld [smem:$0x3FFB];
	_ =	sdelay $0x3  }
0x93: {  	_ =	strace s4  }
0x94: {  	s4 =	sld [smem:$0x3FFC];
	_ =	sdelay $0x3  }
0x95: {  	_ =	strace s4  }
0x96: {  	s4 =	sld [smem:$0x3FFD];
	_ =	sdelay $0x3  }
0x97: {  	_ =	strace s4  }
0x98: {  	_ =	strace $0x8FFFFFFF  }
0x99: {  	s19 =	sld [smem:$0x3FDB];
	_ =	sdelay $0x1  }
0x9a: {  	s5 =	simm.s32 $_scs_section_size  }
0x9b: {  	s6 =	simm.s32 $_size__tile_overlayer_lowered;
	s7 =	simm.s32 $_tile_overlayer_lowered  }
0x9c: {  	s22 =	simm.s32 $0x1BFF;
	s21 =	sshll.u32 s7, $0x1;
	s4 =	sadd.s32 s5, s19  }
0x9d: {  	s8 =	simm.s32 $0x0;
	s20 =	sshll.u32 s6, $0x1;
	s6 =	sadd.s32 s21, s4  }
0x9e: {  	[timem:s8], [sflag:s22] =	dma.local [hbm:s6], s20  }
0x9f: {  	_ =	swait.ge [sflag:s22], s20  }
0xa0: {  	s5 =	ssub.s32 $0x0, s20;
	[sflag:s22] =	ssyncset.done $0x0  }
0xa1: {  	[sflag:s22] =	ssyncadd.s32 s5;
	_ =	sdelay $0x1  }
0xa2: {  	s23 =	simm.s32 $0x1B8B  }
0xa3: {  	_ =	swait.ge [sflag:s23], $0x1  }
0xa4: {  	[sflag:s23] =	ssyncset.done $0x0  }
0xa5: {  	s25 =	simm.s32 $0x1B8E;
	s24 =	sld [smem:$0x3FFE];
	[sflag:s23] =	ssyncadd.s32 $0xFFFFFFFF  }
0xa6: {  	s26 =	simm.s32 $execute0_lowered;
	[smem:$0x3FD2] =	sst s25  }
0xa7: {  	s6 =	sshll.u32 s26, $0x1;
	_ =	strace $0x80000046;
	[dreg:$0x1] =	wrdreg $0xFFFFFFFF  }
0xa8: {  	s28 =	simm.s32 $_size_execute0_lowered;
	s4 =	sadd.s32 s4, s6;
	[dreg:$0x0] =	wrdreg $0x0  }
0xa9: {  	s6 =	sshll.u32 s28, $0x1;
	[dreg:$0x2] =	wrdreg s4  }
0xaa: {  	[dreg:$0x3] =	wrdreg s6  }
0xab: {  	[dreg:$0x4] =	wrdreg $0xC0  }
0xac: {  	_ =	task [dreg:s8], $0x5FFFF  }
0xad: {  	[dreg:$0x1] =	wrdreg $0xFFFFFFFF  }
0xae: {  	[dreg:$0x0] =	wrdreg $0x60  }
0xaf: {  	[dreg:$0x2] =	wrdreg s2  }
0xb0: {  	[dreg:$0x3] =	wrdreg s18  }
0xb1: {  	[dreg:$0x4] =	wrdreg s24  }
0xb2: {  	[dreg:$0x5] =	wrdreg $0x9  }
0xb3: {  	_ =	task.clear_ibuf [dreg:s8], $0x6FFFF;
	_ =	strace $0x90000046  }
0xb4: {  	s29 =	simm.s32 $0x9;
	_ =	strace $0x80000048  }
0xb5: {  	_ =	swait.ge [sflag:s29], $0x1  }
0xb6: {  	[sflag:s29] =	ssyncadd.s32 $0xFFFFFFFF  }
0xb7: {  	_ =	strace $0x90000048  }
0xb8: {  	_ =	sfence  }
0xb9: {  	s30 =	sld [smem:$0x0];
	_ =	sdelay $0x2  }
0xba: {  	s31 =	sshll.u32 s1, $0xD;
	s1 =	sshrl.u32 s1, $0x2  }
0xbb: {  	s3 =	sand.u32 $0x4000, s31;
	s1 =	sadd.s32 s1, s30  }
0xbc: {  	s0 =	sor.u32 s3, s0;
	s1 =	sshll.u32 s1, $0x11  }
0xbd: {  	s0 =	sor.u32 s1, s0  }
0xbe: {  	s0 =	sadd.s32 $0x8F2B, s0  }
0xbf: {  	[sflag:s0] =	ssyncadd.remote.s32 $0x1  }
0xc0: {  	_ =	sfence.sel $0xFFFF  }
0xc1: {  	[dreg:$0x0] =	wrdreg $0xFFFFFFFF;
	(pc) =	sbr.abs _section_cstart, $3  }
0xc2: {  	[dreg:$0x1] =	wrdreg $0xFFFFFFFF  }
0xc3: {  	_ =	task.clear_ibuf [dreg:s8], $0x2FFFF;
	_ =	strace $0x9FFFFFFF  }
0xc4: {  	(tm) =	ssettm $0x7FFFFFFF  }
0xc5: {  	_ =	shalt  }
tec
execute0_lowered:
.L_overlay_start_1:
0x0: {  	(tag) =	ssettag $0x1  }
0x1: {  	s1 =	srdreg.scid;
	s2 =	stileid.u32  }
0x2: {  	s5 =	rddreg [dreg:$0x0];
	s1 =	sand.u32 $0x1, s1;
	s2 =	sshll.u32 s2, $0x1  }
0x3: {  	s6 =	rddreg [dreg:$0x1];
	s3 =	ssub.s32 $0x2, s1;
	s1 =	sor.u32 s1, s2  }
0x4: {  	s0 =	rddreg [dreg:$0x2];
	s4 =	simm.s32 $0x0;
	s26 =	smul.u32 $0x3800, s1  }
0x5: {  	[smem:$0x7FF] =	sst s4;
	s0 =	sadd.s32 $0x400, s0;
	s29 =	smul.u32 $0x1C, s1  }
0x6: {  	s12 =	simm.s32 $0x1;
	_ =	strace $0x80000047;
	[dreg:$0x4] =	wrdreg s0  }
0x7: {  	s25 =	sshrl.u32 s3, $0x1;
	[dreg:$0x5] =	wrdreg s29;
	s30 =	sadd.s32 s5, s26  }
0x8: {  	s28 =	ssub.s32 s3, s25;
	s31 =	sadd.s32 s6, s26;
	[dreg:$0x6] =	wrdreg s30  }
0x9: {  	s13 =	simm.s32 $0x2;
	s0 =	smax.u32 s28, $0x1;
	[dreg:$0x7] =	wrdreg s31  }
0xa: {  	s2 =	simm.s32 $0x0;
	s9 =	smul.u32 $0x1C000, s1;
	[dreg:$0x8] =	wrdreg s0  }
.LBB2_1:
0xb: {  	[dreg:$0x9] =	wrdreg s2  }
0xc: {  	s0 =	simm.s32 $0x0;
	s1 =	rddreg [dreg:$0x6]  }
0xd: {  	[tilespmem:s0], [sflag:$0x1] =	stream.linear.gather [hbm4b:s1+s0], $0x4000, $0x38;
	[tilespmem:$0x14000] =	vst v63  }
0xe: {  	s30 =	rddreg [dreg:$0x7];
	s31 =	simm.s32 $0x8000;
	s19 =	simm.s32 $0x0  }
0xf: {  	[tilespmem:s31], [sflag:$0x2] =	stream.linear.gather [hbm4b:s30+s0], $0x4000, $0x38;
	[tilespmem:$0x14000] =	vst v63  }
.LBB2_2:
0x10: {  	s18 =	sadd.s32 $0x1, s19;
	p0 =	seq.s32 s19, $0x6  }
0x11: {  	s0 =	sshll.u32 @!p0 s18, $0xE  }
0x12: {  	s1 =	sadd.s32 @!p0 s9, s0  }
0x13: {  	s2 =	rddreg [dreg:$0x0];
	s1 =	sshrl.u32 @!p0 s1, $0x3  }
0x14: {  	s3 =	simm.s32 @!p0 $0x0;
	s0 =	sand.u32 @!p0 $0x4000, s0;
	s2 =	sadd.s32 @!p0 s2, s1  }
0x15: {  	[tilespmem:s0], [sflag:$0x1] =	stream.linear.gather @!p0 [hbm4b:s2+s3], $0x4000, $0x38;
	[tilespmem:$0x14000] =	vst v63  }
0x16: {  	s2 =	rddreg [dreg:$0x1]  }
0x17: {  	s0 =	sor.u32 @!p0 $0x8000, s0;
	s1 =	sadd.s32 @!p0 s2, s1  }
0x18: {  	[tilespmem:s0], [sflag:$0x2] =	stream.linear.gather @!p0 [hbm4b:s1+s3], $0x4000, $0x38;
	[tilespmem:$0x14000] =	vst v63  }
0x19: {  	_ =	swait.ge [sflag:s12], $0x4000  }
0x1a: {  	[sflag:s12] =	ssyncset.done $0x0  }
0x1b: {  	[sflag:s12] =	ssyncadd.s32 $0xFFFFC000  }
0x1c: {  	s25 =	sand.u32 $0x1, s19;
	_ =	swait.ge [sflag:s13], $0x4000  }
0x1d: {  	s30 =	simm.s32 $0x0;
	p0 =	slt.u32 s19, $0x2;
	[sflag:s13] =	ssyncset.done $0x0  }
0x1e: {  	s20 =	sshll.u32 s25, $0xE;
	s0 =	simm.s32 @!p0 $0x3;
	[sflag:s13] =	ssyncadd.s32 $0xFFFFC000  }
0x1f: {  	s26 =	sand.u32 $0x40, s30;
	s16 =	sand.u32 $0x3F00, s30;
	_ =	swait.ge @!p0 [sflag:s0], $0x2000  }
0x20: {  	s17 =	sor.u32 s20, s16;
	s28 =	sor.u32 $0x30, s26;
	[sflag:s0] =	ssyncset.done @!p0 $0x0  }
0x21: {  	s4 =	sor.u32 s28, s17;
	[sflag:s0] =	ssyncadd.s32 @!p0 $0xFFFFE000  }
0x22: {  	s29 =	sor.u32 $0x10, s26;
	s23 =	sor.u32 s26, s17;
	v0 =	vld [tilespmem:s4+$0x8000]  }
0x23: {  	s7 =	sor.u32 $0x80, s17;
	s21 =	sor.u32 s29, s17;
	v4 =	vld [tilespmem:s23+$0x8000]  }
0x24: {  	s5 =	sor.u32 s26, s7;
	v3 =	vld [tilespmem:s21+$0x8000]  }
0x25: {  	v5 =	vld [tilespmem:s5+$0x8000];
	_ =	sdelay $0x1  }
0x26: {  	s22 =	sor.u32 s29, s7;
	v2 =	vand.u32 $0x7FFFFF, v0  }
0x27: {  	v1 =	vld [tilespmem:s22+$0x8000];
	v0 =	vshra.s32 v0, $0x17;
	v8 =	vand.u32 $0x7FFFFF, v4;
	v2 =	vor.u32 $0x3F800000, v2  }
0x28: {  	v9 =	vand.u32 $0x7FFFFF, v3;
	v4 =	vshra.s32 v4, $0x17;
	v6 =	vadd.f32 $-1.000000000e+00, v2  }
0x29: {  	v12 =	vand.u32 $0x7FFFFF, v5;
	v13 =	vshra.s32 v3, $0x17;
	v5 =	vshra.s32 v5, $0x17  }
0x2a: {  	s6 =	sor.u32 s28, s7;
	v0 =	vadd.s32 $0xFFFFFF81, v0;
	v9 =	vor.u32 $0x3F800000, v9;
	v10 =	vmul.f32 $6.006604990e-03, v6  }
0x2b: {  	v7 =	vld [tilespmem:s6+$0x8000];
	v8 =	vor.u32 $0x3F800000, v8;
	v4 =	vadd.s32 $0xFFFFFF81, v4;
	v5 =	vadd.s32 $0xFFFFFF81, v5  }
0x2c: {  	v2 =	vcvt.s32.f32 v0;
	v0 =	vshra.s32 v1, $0x17;
	v10 =	vsub.f32 $3.426460180e-02, v10  }
0x2d: {  	v1 =	vand.u32 $0x7FFFFF, v1;
	v8 =	vadd.f32 $-1.000000000e+00, v8;
	v3 =	vcvt.s32.f32 v4  }
0x2e: {  	s31 =	sor.u32 $0x20, s26;
	v11 =	vadd.s32 $0xFFFFFF81, v0;
	v0 =	vor.u32 $0x3F800000, v1;
	v4 =	vmul.f32 v10, v6  }
0x2f: {  	s7 =	sor.u32 s31, s7;
	v5 =	vcvt.s32.f32 v5;
	v10 =	vor.u32 $0x3F800000, v12;
	v12 =	vadd.f32 $-1.000000000e+00, v0  }
0x30: {  	v17 =	vld [tilespmem:s7+$0x8000];
	v0 =	vand.u32 $0x7FFFFF, v7;
	v10 =	vadd.f32 $-1.000000000e+00, v10;
	v4 =	vadd.f32 $-9.229041640e-02, v4  }
0x31: {  	v16 =	vmul.f32 $6.006604990e-03, v8;
	v11 =	vcvt.s32.f32 v11;
	v15 =	vor.u32 $0x3F800000, v0  }
0x32: {  	s2 =	sor.u32 s31, s17;
	v0 =	vadd.f32 $-1.000000000e+00, v9;
	v9 =	vmul.f32 $6.006604990e-03, v10;
	v4 =	vmul.f32 v4, v6  }
0x33: {  	v1 =	vld [tilespmem:s2+$0x8000];
	v5 =	vmul.f32 $6.931471820e-01, v5;
	v2 =	vmul.f32 $6.931471820e-01, v2;
	v15 =	vadd.f32 $-1.000000000e+00, v15  }
0x34: {  	v18 =	vmul.f32 $6.006604990e-03, v12;
	v9 =	vsub.f32 $3.426460180e-02, v9;
	v4 =	vadd.f32 $1.649981290e-01, v4  }
0x35: {  	v21 =	vand.u32 $0x7FFFFF, v17;
	v3 =	vmul.f32 $6.931471820e-01, v3;
	v19 =	vmul.f32 $6.006604990e-03, v15  }
0x36: {  	v18 =	vsub.f32 $3.426460180e-02, v18;
	v9 =	vmul.f32 v9, v10;
	v4 =	vmul.f32 v4, v6  }
0x37: {  	v16 =	vsub.f32 $3.426460180e-02, v16;
	v11 =	vmul.f32 $6.931471820e-01, v11;
	v19 =	vsub.f32 $3.426460180e-02, v19  }
0x38: {  	v18 =	vmul.f32 v18, v12;
	v9 =	vadd.f32 $-9.229041640e-02, v9;
	v4 =	vadd.f32 $-2.394333780e-01, v4  }
0x39: {  	v7 =	vshra.s32 v7, $0x17;
	v14 =	vand.u32 $0x7FFFFF, v1;
	v19 =	vmul.f32 v19, v15  }
0x3a: {  	v18 =	vadd.f32 $-9.229041640e-02, v18;
	v9 =	vmul.f32 v9, v10;
	v4 =	vmul.f32 v4, v6  }
0x3b: {  	v16 =	vmul.f32 v16, v8;
	v14 =	vor.u32 $0x3F800000, v14;
	v19 =	vadd.f32 $-9.229041640e-02, v19  }
0x3c: {  	v18 =	vmul.f32 v18, v12;
	v9 =	vadd.f32 $1.649981290e-01, v9;
	v4 =	vadd.f32 $3.314466480e-01, v4  }
0x3d: {  	v7 =	vadd.s32 $0xFFFFFF81, v7;
	v16 =	vadd.f32 $-9.229041640e-02, v16;
	v19 =	vmul.f32 v19, v15  }
0x3e: {  	v18 =	vadd.f32 $1.649981290e-01, v18;
	v9 =	vmul.f32 v9, v10;
	v4 =	vmul.f32 v4, v6  }
0x3f: {  	v7 =	vcvt.s32.f32 v7;
	v20 =	vmul.f32 $6.006604990e-03, v0;
	v19 =	vadd.f32 $1.649981290e-01, v19  }
0x40: {  	v18 =	vmul.f32 v18, v12;
	v9 =	vadd.f32 $-2.394333780e-01, v9;
	v4 =	vadd.f32 $-4.998255070e-01, v4  }
0x41: {  	v14 =	vadd.f32 $-1.000000000e+00, v14;
	v16 =	vmul.f32 v16, v8;
	v19 =	vmul.f32 v19, v15  }
0x42: {  	v18 =	vadd.f32 $-2.394333780e-01, v18;
	v9 =	vmul.f32 v9, v10;
	v4 =	vmul.f32 v4, v6  }
0x43: {  	v7 =	vmul.f32 $6.931471820e-01, v7;
	v16 =	vadd.f32 $1.649981290e-01, v16;
	v19 =	vadd.f32 $-2.394333780e-01, v19  }
0x44: {  	v18 =	vmul.f32 v18, v12;
	v9 =	vadd.f32 $3.314466480e-01, v9;
	v4 =	vadd.f32 $9.999936220e-01, v4  }
0x45: {  	v20 =	vsub.f32 $3.426460180e-02, v20;
	v16 =	vmul.f32 v16, v8;
	v19 =	vmul.f32 v19, v15  }
0x46: {  	v4 =	vmul.f32 v4, v6;
	v6 =	vmul.f32 v9, v10;
	v9 =	vadd.f32 $3.314466480e-01, v18  }
0x47: {  	v20 =	vmul.f32 v20, v0;
	v18 =	vadd.f32 $3.314466480e-01, v19;
	v19 =	vor.u32 $0x3F800000, v21  }
0x48: {  	v16 =	vadd.f32 $-2.394333780e-01, v16;
	v19 =	vadd.f32 $-1.000000000e+00, v19;
	v9 =	vmul.f32 v9, v12  }
0x49: {  	v20 =	vadd.f32 $-9.229041640e-02, v20;
	v6 =	vadd.f32 $-4.998255070e-01, v6;
	v18 =	vmul.f32 v18, v15  }
0x4a: {  	v16 =	vmul.f32 v16, v8;
	v33 =	vmul.f32 $6.006604990e-03, v19;
	v9 =	vadd.f32 $-4.998255070e-01, v9  }
0x4b: {  	v20 =	vmul.f32 v20, v0;
	v6 =	vmul.f32 v6, v10;
	v18 =	vadd.f32 $-4.998255070e-01, v18  }
0x4c: {  	v16 =	vadd.f32 $3.314466480e-01, v16;
	v21 =	vsub.f32 $3.426460180e-02, v33;
	v9 =	vmul.f32 v9, v12  }
0x4d: {  	v20 =	vadd.f32 $1.649981290e-01, v20;
	v6 =	vadd.f32 $9.999936220e-01, v6;
	v18 =	vmul.f32 v18, v15  }
0x4e: {  	v16 =	vmul.f32 v16, v8;
	v21 =	vmul.f32 v21, v19;
	v9 =	vadd.f32 $9.999936220e-01, v9  }
0x4f: {  	v20 =	vmul.f32 v20, v0;
	v6 =	vmul.f32 v6, v10;
	v10 =	vadd.f32 $9.999936220e-01, v18  }
0x50: {  	v16 =	vadd.f32 $-4.998255070e-01, v16;
	v9 =	vmul.f32 v9, v12;
	v12 =	vadd.f32 $-9.229041640e-02, v21  }
0x51: {  	v20 =	vadd.f32 $-2.394333780e-01, v20;
	v5 =	vadd.f32 v6, v5;
	v6 =	vmul.f32 v10, v15  }
0x52: {  	v10 =	vmul.f32 v16, v8;
	v9 =	vadd.f32 v9, v11;
	v11 =	vmul.f32 v12, v19  }
0x53: {  	v12 =	vmul.f32 v20, v0;
	(erf) = vrcp.f32 v5  }
0x54: {  	v5 =	vadd.f32 v6, v7;
	v6 =	vmul.f32 $6.006604990e-03, v14;
	v7 =	vadd.f32 $1.649981290e-01, v11  }
0x55: {  	(erf) = vrcp.f32 v9;
	v9 =	vadd.f32 $9.999936220e-01, v10;
	v10 =	vadd.f32 $3.314466480e-01, v12  }
0x56: {  	(erf) = vrcp.f32 v5;
	v5 =	vsub.f32 $3.426460180e-02, v6;
	v6 =	vmul.f32 v7, v19  }
0x57: {  	v1 =	vshra.s32 v1, $0x17;
	v7 =	vmul.f32 v9, v8;
	v9 =	vmul.f32 v10, v0  }
0x58: {  	v2 =	vadd.f32 v4, v2;
	v8 =	vadd.s32 $0xFFFFFF81, v13;
	v4 =	vmul.f32 v5, v14  }
0x59: {  	v5 =	vadd.f32 $-2.394333780e-01, v6;
	v6 =	vcvt.s32.f32 v8;
	v8 =	vadd.f32 $-4.998255070e-01, v9  }
0x5a: {  	v1 =	vadd.s32 $0xFFFFFF81, v1;
	v9 =	vshra.s32 v17, $0x17;
	v4 =	vadd.f32 $-9.229041640e-02, v4  }
0x5b: {  	v3 =	vadd.f32 v7, v3;
	v5 =	vmul.f32 v5, v19;
	v8 =	vmul.f32 v8, v0  }
0x5c: {  	v10 =	vcvt.s32.f32 v1;
	v9 =	vadd.s32 $0xFFFFFF81, v9;
	v7 =	vpop (erf);
	v4 =	vmul.f32 v4, v14  }
0x5d: {  	v5 =	vadd.f32 $3.314466480e-01, v5;
	v3 =	vmul.f32 v7, v3;
	v1 =	vadd.f32 $9.999936220e-01, v8  }
0x5e: {  	v6 =	vmul.f32 $6.931471820e-01, v6;
	v9 =	vcvt.s32.f32 v9;
	v7 =	vpop (erf);
	v4 =	vadd.f32 $1.649981290e-01, v4  }
0x5f: {  	v8 =	vpop (erf);
	v5 =	vmul.f32 v5, v19;
	v11 =	vand.u32 $0x7FFFFF, v3;
	v0 =	vmul.f32 v1, v0  }
0x60: {  	v12 =	vld [tilespmem:s6+$0x0];
	v2 =	vmul.f32 v8, v2;
	v8 =	vor.u32 $0x3F800000, v11;
	v4 =	vmul.f32 v4, v14  }
0x61: {  	v9 =	vmul.f32 $6.931471820e-01, v9;
	v11 =	vld [tilespmem:s4+$0x0];
	v5 =	vadd.f32 $-4.998255070e-01, v5;
	v1 =	vadd.f32 $-1.000000000e+00, v8  }
0x62: {  	v16 =	vld [tilespmem:s23+$0x0];
	v0 =	vadd.f32 v0, v6;
	v8 =	vand.u32 $0x7FFFFF, v2;
	v4 =	vadd.f32 $-2.394333780e-01, v4  }
0x63: {  	v13 =	vld [tilespmem:s5+$0x0];
	v8 =	vor.u32 $0x3F800000, v8;
	v5 =	vmul.f32 v5, v19;
	v6 =	vmul.f32 $2.980876530e-02, v1  }
0x64: {  	v2 =	vshra.s32 v2, $0x17;
	v7 =	vmul.f32 v7, v0;
	v8 =	vadd.f32 $-1.000000000e+00, v8  }
0x65: {  	v4 =	vmul.f32 v4, v14;
	v5 =	vadd.f32 $9.999936220e-01, v5;
	v6 =	vadd.f32 $-1.299571990e-01, v6  }
0x66: {  	v15 =	vand.u32 $0x7FFFFF, v7;
	v11 =	vsub.f32 v12, v11;
	v0 =	vmul.f32 $2.980876530e-02, v8  }
0x67: {  	v12 =	vadd.s32 $0xFFFFFF81, v2;
	v4 =	vadd.f32 $3.314466480e-01, v4;
	v5 =	vmul.f32 v5, v19  }
0x68: {  	s24 =	simm.s32 $0x80;
	v2 =	vsub.f32 v13, v16;
	v6 =	vmul.f32 v6, v1;
	v17 =	vadd.f32 $-1.299571990e-01, v0  }
0x69: {  	s4 =	sand.u32 $0x3F00, s24;
	v13 =	vld [tilespmem:s7+$0x0];
	v0 =	vor.u32 $0x3F800000, v15;
	v4 =	vmul.f32 v4, v14;
	v5 =	vadd.f32 v5, v9  }
0x6a: {  	s3 =	simm.s32 $0x40;
	s5 =	sor.u32 s20, s4;
	v7 =	vshra.s32 v7, $0x17;
	v15 =	vld [tilespmem:s2+$0x0];
	v0 =	vadd.f32 $-1.000000000e+00, v0;
	v6 =	vadd.f32 $2.838231920e-01, v6  }
0x6b: {  	s7 =	sor.u32 $0x80, s5;
	v9 =	vmul.f32 v17, v8;
	v4 =	vadd.f32 $-4.998255070e-01, v4;
	v17 =	vld [tilespmem:s21+$0x0];
	s21 =	sand.u32 $0x40, s3;
	(erf) = vrcp.f32 v5  }
0x6c: {  	v5 =	vmul.f32 $2.980876530e-02, v0;
	v16 =	vmul.f32 v6, v1;
	v6 =	vadd.s32 $0xFFFFFF81, v7;
	v7 =	vld [tilespmem:s22+$0x0];
	s23 =	sor.u32 $0x30, s21;
	s22 =	sor.u32 $0x10, s21;
	s8 =	sor.u32 s21, s5  }
0x6d: {  	v10 =	vmul.f32 $6.931471820e-01, v10;
	s10 =	sor.u32 s21, s7;
	s24 =	sor.u32 $0x20, s21;
	v9 =	vadd.f32 $2.838231920e-01, v9;
	v4 =	vmul.f32 v4, v14;
	s6 =	sor.u32 s23, s5;
	v18 =	vld [tilespmem:s8+$0x8000]  }
0x6e: {  	v3 =	vshra.s32 v3, $0x17;
	v12 =	vcvt.s32.f32 v12;
	s0 =	sor.u32 s22, s5;
	v19 =	vld [tilespmem:s10+$0x8000];
	s2 =	sor.u32 s24, s5;
	s5 =	sor.u32 s24, s7;
	v5 =	vadd.f32 $-1.299571990e-01, v5  }
0x6f: {  	v6 =	vcvt.s32.f32 v6;
	v28 =	vld [tilespmem:s5+$0x8000];
	v9 =	vmul.f32 v9, v8;
	v4 =	vadd.f32 $9.999936220e-01, v4  }
0x70: {  	v3 =	vadd.s32 $0xFFFFFF81, v3;
	v12 =	vmul.f32 $6.931471820e-01, v12;
	v5 =	vmul.f32 v5, v0  }
0x71: {  	v6 =	vmul.f32 $6.931471820e-01, v6;
	v9 =	vadd.f32 $-4.896990950e-01, v9;
	v4 =	vmul.f32 v4, v14  }
0x72: {  	v14 =	vadd.f32 $2.838231920e-01, v5;
	v5 =	vadd.f32 $-4.896990950e-01, v16;
	v34 =	vand.u32 $0x7FFFFF, v18  }
0x73: {  	v36 =	vand.u32 $0x7FFFFF, v19;
	v19 =	vshra.s32 v19, $0x17;
	v9 =	vmul.f32 v9, v8  }
0x74: {  	v4 =	vadd.f32 v4, v10;
	v37 =	vor.u32 $0x3F800000, v36;
	v32 =	vand.u32 $0x7FFFFF, v28  }
0x75: {  	v19 =	vadd.s32 $0xFFFFFF81, v19;
	v58 =	vshra.s32 v28, $0x17;
	v10 =	vmul.f32 v14, v0  }
0x76: {  	v14 =	vcvt.s32.f32 v3;
	v3 =	vsub.f32 v13, v15;
	v21 =	vadd.f32 $-1.000000000e+00, v37  }
0x77: {  	v32 =	vor.u32 $0x3F800000, v32;
	v19 =	vcvt.s32.f32 v19;
	v59 =	vadd.s32 $0xFFFFFF81, v58  }
0x78: {  	v5 =	vmul.f32 v5, v1;
	v9 =	vadd.f32 $9.991664290e-01, v9;
	v16 =	vpop (erf);
	v32 =	vadd.f32 $-1.000000000e+00, v32  }
0x79: {  	v13 =	vld [tilespmem:s6+$0x8000];
	v15 =	vmul.f32 v16, v4;
	v10 =	vadd.f32 $-4.896990950e-01, v10;
	v4 =	vmul.f32 $6.931471820e-01, v14  }
0x7a: {  	v41 =	vmul.f32 $6.006604990e-03, v21;
	v19 =	vmul.f32 $6.931471820e-01, v19;
	v5 =	vadd.f32 $9.991664290e-01, v5  }
0x7b: {  	v9 =	vmul.f32 v9, v8;
	v8 =	vsub.f32 v7, v17;
	v48 =	vmul.f32 $6.006604990e-03, v32  }
0x7c: {  	s1 =	sor.u32 s22, s7;
	v14 =	vld [tilespmem:s0+$0x8000];
	v7 =	vshra.s32 v15, $0x17;
	v15 =	vand.u32 $0x7FFFFF, v15;
	v10 =	vmul.f32 v10, v0  }
0x7d: {  	v16 =	vld [tilespmem:s1+$0x8000];
	v1 =	vmul.f32 v5, v1;
	v17 =	vadd.s32 $0xFFFFFF81, v7;
	v7 =	vor.u32 $0x3F800000, v15  }
0x7e: {  	v12 =	vadd.f32 v9, v12;
	v15 =	vshra.s32 v13, $0x17;
	v13 =	vand.u32 $0x7FFFFF, v13  }
0x7f: {  	v54 =	vsub.f32 $3.426460180e-02, v48;
	v7 =	vadd.f32 $-1.000000000e+00, v7;
	v9 =	vcvt.s32.f32 v17  }
0x80: {  	v13 =	vor.u32 $0x3F800000, v13;
	v10 =	vadd.f32 $9.991664290e-01, v10;
	v1 =	vadd.f32 v1, v4  }
0x81: {  	v11 =	vadd.f32 v12, v11;
	v12 =	vadd.s32 $0xFFFFFF81, v15;
	v20 =	vadd.f32 $-1.000000000e+00, v13  }
0x82: {  	v13 =	vshra.s32 v16, $0x17;
	v16 =	vand.u32 $0x7FFFFF, v16;
	v22 =	vand.u32 $0x7FFFFF, v14  }
0x83: {  	v26 =	vshra.s32 v14, $0x17;
	v56 =	vmul.f32 v54, v32;
	v17 =	vmul.f32 $2.980876530e-02, v7  }
0x84: {  	v15 =	vcvt.s32.f32 v12;
	v22 =	vor.u32 $0x3F800000, v22;
	v23 =	vmul.f32 $6.006604990e-03, v20  }
0x85: {  	v24 =	vadd.s32 $0xFFFFFF81, v13;
	v25 =	vor.u32 $0x3F800000, v16;
	v16 =	vshra.s32 v18, $0x17  }
0x86: {  	v18 =	vor.u32 $0x3F800000, v34;
	v26 =	vadd.s32 $0xFFFFFF81, v26;
	v35 =	vsub.f32 $3.426460180e-02, v23  }
0x87: {  	s11 =	sor.u32 s23, s7;
	v10 =	vmul.f32 v10, v0;
	v1 =	vadd.f32 v1, v2;
	v11 =	vmul.f32 $1.000000010e-01, v11  }
0x88: {  	v16 =	vadd.s32 $0xFFFFFF81, v16;
	v12 =	vadd.f32 $-1.299571990e-01, v17;
	v17 =	vld [tilespmem:s11+$0x8000];
	v14 =	vmul.f32 v35, v20  }
0x89: {  	v18 =	vadd.f32 $-1.000000000e+00, v18;
	v38 =	vadd.f32 $-1.000000000e+00, v25;
	v24 =	vcvt.s32.f32 v24  }
0x8a: {  	v57 =	vcvt.s32.f32 v26;
	v16 =	vcvt.s32.f32 v16;
	v27 =	vadd.f32 $-9.229041640e-02, v14  }
0x8b: {  	v15 =	vmul.f32 $6.931471820e-01, v15;
	v6 =	vadd.f32 v10, v6;
	v1 =	vmul.f32 $1.000000010e-01, v1  }
0x8c: {  	v13 =	vld [tilespmem:s2+$0x8000];
	v11 =	vmul.f32 $1.442695020e+00, v11;
	v40 =	vmul.f32 v27, v20;
	v27 =	vsub.f32 $3.426460180e-02, v41  }
0x8d: {  	v30 =	vmul.f32 $6.006604990e-03, v18;
	v33 =	vmul.f32 $6.006604990e-03, v38;
	v39 =	vand.u32 $0x7FFFFF, v17  }
0x8e: {  	v14 =	vadd.f32 $-1.000000000e+00, v22;
	v22 =	vadd.f32 $1.649981290e-01, v40;
	v27 =	vmul.f32 v27, v21  }
0x8f: {  	v24 =	vmul.f32 $6.931471820e-01, v24;
	v12 =	vmul.f32 v12, v7;
	v25 =	vor.u32 $0x3F800000, v39  }
0x90: {  	v25 =	vadd.f32 $-1.000000000e+00, v25;
	v22 =	vmul.f32 v22, v20;
	v27 =	vadd.f32 $-9.229041640e-02, v27  }
0x91: {  	v16 =	vmul.f32 $6.931471820e-01, v16;
	v29 =	vand.u32 $0x7FFFFF, v13;
	v33 =	vsub.f32 $3.426460180e-02, v33  }
0x92: {  	v42 =	vmul.f32 $6.006604990e-03, v25;
	v22 =	vadd.f32 $-2.394333780e-01, v22;
	v27 =	vmul.f32 v27, v21  }
0x93: {  	(erf) = vpow2.f32 v11;
	v11 =	vsub.f32 $3.426460180e-02, v30;
	v33 =	vmul.f32 v33, v38  }
0x94: {  	v30 =	vsub.f32 $3.426460180e-02, v42;
	v22 =	vmul.f32 v22, v20;
	v27 =	vadd.f32 $1.649981290e-01, v27  }
0x95: {  	v13 =	vshra.s32 v13, $0x17;
	v29 =	vor.u32 $0x3F800000, v29;
	v33 =	vadd.f32 $-9.229041640e-02, v33  }
0x96: {  	v30 =	vmul.f32 v30, v25;
	v22 =	vadd.f32 $3.314466480e-01, v22;
	v27 =	vmul.f32 v27, v21  }
0x97: {  	v13 =	vadd.s32 $0xFFFFFF81, v13;
	v11 =	vmul.f32 v11, v18;
	v33 =	vmul.f32 v33, v38  }
0x98: {  	v30 =	vadd.f32 $-9.229041640e-02, v30;
	v22 =	vmul.f32 v22, v20;
	v27 =	vadd.f32 $-2.394333780e-01, v27  }
0x99: {  	v61 =	vcvt.s32.f32 v13;
	v31 =	vmul.f32 $6.006604990e-03, v14;
	v33 =	vadd.f32 $1.649981290e-01, v33  }
0x9a: {  	v30 =	vmul.f32 v30, v25;
	v22 =	vadd.f32 $-4.998255070e-01, v22;
	v27 =	vmul.f32 v27, v21  }
0x9b: {  	v11 =	vadd.f32 $-9.229041640e-02, v11;
	v31 =	vsub.f32 $3.426460180e-02, v31;
	v33 =	vmul.f32 v33, v38  }
0x9c: {  	v30 =	vadd.f32 $1.649981290e-01, v30;
	v22 =	vmul.f32 v22, v20;
	v27 =	vadd.f32 $3.314466480e-01, v27  }
0x9d: {  	v11 =	vmul.f32 v11, v18;
	v31 =	vmul.f32 v31, v14;
	v33 =	vadd.f32 $-2.394333780e-01, v33  }
0x9e: {  	v30 =	vmul.f32 v30, v25;
	v22 =	vadd.f32 $9.999936220e-01, v22;
	v43 =	vmul.f32 v27, v21  }
0x9f: {  	v11 =	vadd.f32 $1.649981290e-01, v11;
	v31 =	vadd.f32 $-9.229041640e-02, v31;
	v33 =	vmul.f32 v33, v38  }
0xa0: {  	v30 =	vadd.f32 $-2.394333780e-01, v30;
	v20 =	vmul.f32 v22, v20;
	v22 =	vadd.f32 $-4.998255070e-01, v43  }
0xa1: {  	v17 =	vshra.s32 v17, $0x17;
	v11 =	vmul.f32 v11, v18;
	v31 =	vmul.f32 v31, v14  }
0xa2: {  	v47 =	vadd.f32 $3.314466480e-01, v33;
	v30 =	vmul.f32 v30, v25;
	v22 =	vmul.f32 v22, v21  }
0xa3: {  	v17 =	vadd.s32 $0xFFFFFF81, v17;
	v11 =	vadd.f32 $-2.394333780e-01, v11;
	v31 =	vadd.f32 $1.649981290e-01, v31  }
0xa4: {  	v44 =	vadd.f32 $3.314466480e-01, v30;
	v30 =	vmul.f32 v47, v38;
	v22 =	vadd.f32 $9.999936220e-01, v22  }
0xa5: {  	v12 =	vadd.f32 $2.838231920e-01, v12;
	v17 =	vcvt.s32.f32 v17;
	v11 =	vmul.f32 v11, v18  }
0xa6: {  	v34 =	vpop (erf);
	v31 =	vmul.f32 v31, v14;
	v30 =	vadd.f32 $-4.998255070e-01, v30;
	v21 =	vmul.f32 v22, v21  }
0xa7: {  	v34 =	vadd.f32 $1.000000000e+00, v34;
	v11 =	vadd.f32 $3.314466480e-01, v11;
	v27 =	vmul.f32 v44, v25  }
0xa8: {  	v31 =	vadd.f32 $-2.394333780e-01, v31;
	v30 =	vmul.f32 v30, v38;
	v19 =	vadd.f32 v21, v19  }
0xa9: {  	(erf) = vrcp.f32 v34;
	v45 =	vmul.f32 v11, v18;
	v27 =	vadd.f32 $-4.998255070e-01, v27  }
0xaa: {  	v50 =	vmul.f32 v31, v14;
	v53 =	vadd.f32 $9.999936220e-01, v30;
	(erf) = vrcp.f32 v19  }
0xab: {  	v17 =	vmul.f32 $6.931471820e-01, v17;
	v46 =	vadd.f32 $-4.998255070e-01, v45;
	v27 =	vmul.f32 v27, v25  }
0xac: {  	v11 =	vadd.f32 $-1.000000000e+00, v29;
	v52 =	vadd.f32 $3.314466480e-01, v50;
	v23 =	vmul.f32 v53, v38  }
0xad: {  	v29 =	vmul.f32 v46, v18;
	v15 =	vadd.f32 v20, v15;
	v51 =	vadd.f32 $9.999936220e-01, v27  }
0xae: {  	v20 =	vmul.f32 v52, v14;
	v55 =	vadd.f32 v23, v24;
	v23 =	vadd.f32 $-9.229041640e-02, v56  }
0xaf: {  	v49 =	vadd.f32 $9.999936220e-01, v29;
	v21 =	vmul.f32 v51, v25;
	v19 =	vmul.f32 $6.006604990e-03, v11  }
0xb0: {  	v20 =	vadd.f32 $-4.998255070e-01, v20;
	(erf) = vrcp.f32 v55;
	v60 =	vmul.f32 v23, v32  }
0xb1: {  	v12 =	vmul.f32 v12, v7;
	v19 =	vsub.f32 $3.426460180e-02, v19;
	v17 =	vadd.f32 v21, v17  }
0xb2: {  	v62 =	vpop (erf);
	v18 =	vmul.f32 v49, v18;
	v20 =	vmul.f32 v20, v14;
	v13 =	vadd.f32 $1.649981290e-01, v60  }
0xb3: {  	v12 =	vadd.f32 $-4.896990950e-01, v12;
	v19 =	vmul.f32 v19, v11;
	v63 =	vpop (erf);
	(erf) = vrcp.f32 v17  }
0xb4: {  	v16 =	vadd.f32 v18, v16;
	v18 =	vadd.f32 $9.999936220e-01, v20;
	v13 =	vmul.f32 v13, v32  }
0xb5: {  	v6 =	vadd.f32 v6, v8;
	v12 =	vmul.f32 v12, v7;
	v19 =	vadd.f32 $-9.229041640e-02, v19  }
0xb6: {  	v20 =	vmul.f32 $6.931471820e-01, v57;
	v14 =	vmul.f32 v18, v14;
	v10 =	vadd.f32 $-2.394333780e-01, v13  }
0xb7: {  	v6 =	vmul.f32 $1.000000010e-01, v6;
	v12 =	vadd.f32 $9.991664290e-01, v12;
	v19 =	vmul.f32 v19, v11  }
0xb8: {  	v14 =	vadd.f32 v14, v20;
	v16 =	vmul.f32 v63, v16;
	v10 =	vmul.f32 v10, v32  }
0xb9: {  	v6 =	vmul.f32 $1.442695020e+00, v6;
	v5 =	vmul.f32 v12, v7;
	v17 =	vadd.f32 $1.649981290e-01, v19;
	v8 =	vpop (erf)  }
0xba: {  	v18 =	vand.u32 $0x7FFFFF, v16;
	v14 =	vmul.f32 v8, v14;
	v8 =	vmul.f32 $6.931471820e-01, v9  }
0xbb: {  	v19 =	vmul.f32 $1.442695020e+00, v1;
	v9 =	vadd.f32 $3.314466480e-01, v10;
	v0 =	vor.u32 $0x3F800000, v18  }
0xbc: {  	v7 =	vld [tilespmem:s6+$0x0];
	v18 =	vshra.s32 v16, $0x17;
	v16 =	vmul.f32 v17, v11;
	v5 =	vadd.f32 v5, v8;
	v10 =	vpop (erf)  }
0xbd: {  	v0 =	vadd.f32 $-1.000000000e+00, v0;
	v9 =	vmul.f32 v9, v32;
	v10 =	vmul.f32 v10, v15;
	v15 =	vld [tilespmem:s11+$0x0]  }
0xbe: {  	v12 =	vand.u32 $0x7FFFFF, v14;
	v16 =	vadd.f32 $-2.394333780e-01, v16;
	v3 =	vadd.f32 v5, v3  }
0xbf: {  	v17 =	vor.u32 $0x3F800000, v12;
	v4 =	vadd.f32 $-4.998255070e-01, v9;
	v8 =	vand.u32 $0x7FFFFF, v10  }
0xc0: {  	v13 =	vmul.f32 $2.980876530e-02, v0;
	v9 =	vld [tilespmem:s10+$0x0];
	v3 =	vmul.f32 $1.000000010e-01, v3;
	v8 =	vor.u32 $0x3F800000, v8  }
0xc1: {  	v2 =	vmul.f32 v4, v32;
	v4 =	vshra.s32 v10, $0x17;
	v10 =	vld [tilespmem:s8+$0x0];
	v8 =	vadd.f32 $-1.000000000e+00, v8  }
0xc2: {  	v5 =	vmul.f32 v16, v11;
	v3 =	vmul.f32 $1.442695020e+00, v3;
	v12 =	vsub.f32 v15, v7  }
0xc3: {  	v7 =	vadd.f32 $9.999936220e-01, v2;
	v15 =	vcvt.s32.f32 v59;
	v16 =	vmul.f32 $2.980876530e-02, v8  }
0xc4: {  	v5 =	vadd.f32 $3.314466480e-01, v5;
	(erf) = vpow2.f32 v3;
	v2 =	vadd.f32 $-1.000000000e+00, v17  }
0xc5: {  	v7 =	vmul.f32 v7, v32;
	v3 =	vmul.f32 $6.931471820e-01, v15;
	v16 =	vadd.f32 $-1.299571990e-01, v16  }
0xc6: {  	v13 =	vadd.f32 $-1.299571990e-01, v13;
	v5 =	vmul.f32 v5, v11;
	v1 =	vsub.f32 v9, v10  }
0xc7: {  	v9 =	vmul.f32 $2.980876530e-02, v2;
	v3 =	vadd.f32 v7, v3;
	v7 =	vmul.f32 v16, v8  }
0xc8: {  	(erf) = vpow2.f32 v19;
	v5 =	vadd.f32 $-4.998255070e-01, v5;
	v10 =	vmul.f32 v13, v0  }
0xc9: {  	(erf) = vpow2.f32 v6;
	v9 =	vadd.f32 $-1.299571990e-01, v9;
	v7 =	vadd.f32 $2.838231920e-01, v7  }
0xca: {  	(erf) = vrcp.f32 v3;
	v3 =	vadd.f32 $2.838231920e-01, v10;
	v10 =	vmul.f32 v5, v11  }
0xcb: {  	s14 =	sshll.u32 s25, $0xD;
	v4 =	vadd.s32 $0xFFFFFF81, v4;
	v9 =	vmul.f32 v9, v2;
	v7 =	vmul.f32 v7, v8  }
0xcc: {  	s15 =	simm.s32 $0x0;
	s25 =	sor.u32 $0x10000, s14;
	s16 =	sand.u32 $0x1E00, s30;
	v6 =	vcvt.s32.f32 v4;
	v5 =	vld [tilespmem:s5+$0x0]  }
0xcd: {  	s4 =	sadd.s32 s16, s25;
	s3 =	sand.u32 $0x180, s15;
	v4 =	vshra.s32 v14, $0x17;
	v15 =	vadd.f32 $9.999936220e-01, v10;
	v10 =	vld [tilespmem:s2+$0x0];
	v17 =	vadd.f32 $-4.896990950e-01, v7  }
0xce: {  	s3 =	sadd.s32 s3, s4;
	v14 =	vmul.f32 v3, v0;
	v3 =	vadd.s32 $0xFFFFFF81, v4  }
0xcf: {  	s30 =	simm.s32 $0x4;
	s4 =	sadd.s32 s29, s3;
	s17 =	sadd.s32 s28, s3;
	v13 =	vadd.f32 $2.838231920e-01, v9;
	v3 =	vcvt.s32.f32 v3;
	v9 =	vpop (erf)  }
0xd0: {  	s29 =	simm.s32 $0x100;
	s28 =	simm.s32 $0x4;
	s10 =	sadd.s32 s31, s3;
	v4 =	vadd.f32 $-4.896990950e-01, v14;
	v16 =	vmul.f32 v15, v11;
	v7 =	vld [tilespmem:s1+$0x0];
	v15 =	vadd.f32 $1.000000000e+00, v9  }
0xd1: {  	[tilespmem:s17+$0x0] =	vst v62;
	s31 =	simm.s32 $0x80;
	s8 =	sadd.s32 s26, s3;
	s26 =	simm.s32 $0x100;
	v11 =	vadd.s32 $0xFFFFFF81, v18;
	v18 =	vmul.f32 $6.931471820e-01, v61;
	v9 =	vld [tilespmem:s0+$0x0];
	v14 =	vmul.f32 v17, v8;
	v17 =	vpop (erf)  }
.LBB2_3:
0xd2: {  	s30 =	sadd.s32 $0x4, s30;
	s14 =	sand.u32 $0x40, s31;
	s0 =	sand.u32 $0x3F00, s29;
	v13 =	vmul.f32 v13, v2;
	v5 =	vsub.f32 v5, v10;
	(erf) = vrcp.f32 v15  }
0xd3: {  	v10 =	vcvt.s32.f32 v11;
	v15 =	vadd.f32 $1.000000000e+00, v17;
	s7 =	sor.u32 s20, s0;
	s5 =	sor.u32 $0x10, s14;
	s15 =	sor.u32 $0x30, s14;
	v11 =	vadd.f32 v16, v18;
	v16 =	vpop (erf)  }
0xd4: {  	v17 =	vmul.f32 $6.931471820e-01, v6;
	s6 =	sor.u32 $0x20, s14;
	v14 =	vadd.f32 $9.991664290e-01, v14;
	s1 =	sor.u32 $0x80, s7;
	s2 =	sor.u32 s15, s7;
	v6 =	vpop (erf);
	v16 =	vadd.f32 $1.000000000e+00, v16  }
0xd5: {  	s0 =	sor.u32 s5, s7;
	v13 =	vadd.f32 $-4.896990950e-01, v13;
	s11 =	sor.u32 s6, s1;
	s3 =	sor.u32 s15, s1;
	v18 =	vld [tilespmem:s2+$0x8000];
	v11 =	vmul.f32 v6, v11;
	(erf) = vrcp.f32 v15  }
0xd6: {  	s16 =	sor.u32 s14, s7;
	s17 =	sor.u32 s14, s1;
	s1 =	sor.u32 s5, s1;
	v6 =	vmul.f32 $6.931471820e-01, v10;
	v8 =	vmul.f32 v14, v8;
	v19 =	vld [tilespmem:s0+$0x8000];
	v7 =	vsub.f32 v7, v9  }
0xd7: {  	p0 =	slt.u32 s30, $0x1FC;
	s7 =	sor.u32 s6, s7;
	v10 =	vmul.f32 v13, v2;
	v14 =	vld [tilespmem:s16+$0x8000];
	v9 =	vshra.s32 v11, $0x17;
	v11 =	vand.u32 $0x7FFFFF, v11  }
0xd8: {  	v15 =	vadd.f32 v8, v17;
	v13 =	vld [tilespmem:s1+$0x8000];
	v9 =	vadd.s32 $0xFFFFFF81, v9;
	v11 =	vor.u32 $0x3F800000, v11  }
0xd9: {  	v22 =	vld [tilespmem:s17+$0x8000];
	v8 =	vadd.f32 $-1.000000000e+00, v11;
	v9 =	vcvt.s32.f32 v9;
	(erf) = vrcp.f32 v16  }
0xda: {  	v12 =	vadd.f32 v15, v12;
	v23 =	vld [tilespmem:s3+$0x8000];
	v11 =	vshra.s32 v18, $0x17;
	v16 =	vand.u32 $0x7FFFFF, v18  }
0xdb: {  	v15 =	vadd.s32 $0xFFFFFF81, v11;
	v11 =	vor.u32 $0x3F800000, v16;
	v16 =	vmul.f32 $2.980876530e-02, v8;
	v18 =	vpop (erf)  }
0xdc: {  	v24 =	vmul.f32 $1.000000010e-01, v12;
	v11 =	vadd.f32 $-1.000000000e+00, v11;
	v17 =	vcvt.s32.f32 v15;
	[tilespmem:s10+$0x0] =	vst v18  }
0xdd: {  	v12 =	vshra.s32 v13, $0x17;
	v13 =	vand.u32 $0x7FFFFF, v13;
	v15 =	vadd.f32 $-1.299571990e-01, v16  }
0xde: {  	v18 =	vand.u32 $0x7FFFFF, v19;
	v16 =	vand.u32 $0x7FFFFF, v14;
	v20 =	vmul.f32 $6.006604990e-03, v11;
	v21 =	vpop (erf)  }
0xdf: {  	v18 =	vor.u32 $0x3F800000, v18;
	v25 =	vadd.s32 $0xFFFFFF81, v12;
	v13 =	vor.u32 $0x3F800000, v13;
	[tilespmem:s8+$0x0] =	vst v21  }
0xe0: {  	v14 =	vshra.s32 v14, $0x17;
	v21 =	vor.u32 $0x3F800000, v16;
	v12 =	vld [tilespmem:s7+$0x8000];
	v20 =	vsub.f32 $3.426460180e-02, v20  }
0xe1: {  	v19 =	vshra.s32 v19, $0x17;
	v14 =	vadd.s32 $0xFFFFFF81, v14;
	v26 =	vand.u32 $0x7FFFFF, v22;
	v16 =	vld [tilespmem:s11+$0x8000]  }
0xe2: {  	v14 =	vcvt.s32.f32 v14;
	v21 =	vadd.f32 $-1.000000000e+00, v21;
	v27 =	vmul.f32 v20, v11;
	v28 =	vpop (erf)  }
0xe3: {  	v26 =	vor.u32 $0x3F800000, v26;
	v20 =	vadd.f32 $-1.000000000e+00, v13;
	v13 =	vand.u32 $0x7FFFFF, v23;
	[tilespmem:s4+$0x0] =	vst v28  }
0xe4: {  	v24 =	vmul.f32 $1.442695020e+00, v24;
	v23 =	vshra.s32 v23, $0x17;
	v27 =	vadd.f32 $-9.229041640e-02, v27  }
0xe5: {  	v26 =	vadd.f32 $-1.000000000e+00, v26;
	v29 =	vor.u32 $0x3F800000, v13;
	v28 =	vand.u32 $0x7FFFFF, v12  }
0xe6: {  	v30 =	vmul.f32 $6.006604990e-03, v21;
	v13 =	vadd.f32 $-1.000000000e+00, v18;
	v18 =	vmul.f32 v27, v11  }
0xe7: {  	v31 =	vmul.f32 $6.006604990e-03, v26;
	v27 =	vshra.s32 v22, $0x17;
	v22 =	vadd.f32 $-1.000000000e+00, v29  }
0xe8: {  	v28 =	vor.u32 $0x3F800000, v28;
	v18 =	vadd.f32 $1.649981290e-01, v18;
	(erf) = vpow2.f32 v24  }
0xe9: {  	v29 =	vsub.f32 $3.426460180e-02, v31;
	v24 =	vsub.f32 $3.426460180e-02, v30;
	v30 =	vmul.f32 $6.006604990e-03, v22  }
0xea: {  	v31 =	vmul.f32 $6.006604990e-03, v13;
	v32 =	vand.u32 $0x7FFFFF, v16;
	v18 =	vmul.f32 v18, v11  }
0xeb: {  	v29 =	vmul.f32 v29, v26;
	v24 =	vmul.f32 v24, v21;
	v30 =	vsub.f32 $3.426460180e-02, v30  }
0xec: {  	v33 =	vmul.f32 $6.006604990e-03, v20;
	v31 =	vsub.f32 $3.426460180e-02, v31;
	v18 =	vadd.f32 $-2.394333780e-01, v18  }
0xed: {  	v29 =	vadd.f32 $-9.229041640e-02, v29;
	v24 =	vadd.f32 $-9.229041640e-02, v24;
	v30 =	vmul.f32 v30, v22  }
0xee: {  	v33 =	vsub.f32 $3.426460180e-02, v33;
	v31 =	vmul.f32 v31, v13;
	v18 =	vmul.f32 v18, v11  }
0xef: {  	v29 =	vmul.f32 v29, v26;
	v24 =	vmul.f32 v24, v21;
	v30 =	vadd.f32 $-9.229041640e-02, v30  }
0xf0: {  	v33 =	vmul.f32 v33, v20;
	v31 =	vadd.f32 $-9.229041640e-02, v31;
	v18 =	vadd.f32 $3.314466480e-01, v18  }
0xf1: {  	v29 =	vadd.f32 $1.649981290e-01, v29;
	v24 =	vadd.f32 $1.649981290e-01, v24;
	v30 =	vmul.f32 v30, v22;
	v34 =	vpop (erf)  }
0xf2: {  	v33 =	vadd.f32 $-9.229041640e-02, v33;
	v31 =	vmul.f32 v31, v13;
	v18 =	vmul.f32 v18, v11  }
0xf3: {  	v29 =	vmul.f32 v29, v26;
	v24 =	vmul.f32 v24, v21;
	v30 =	vadd.f32 $1.649981290e-01, v30  }
0xf4: {  	v33 =	vmul.f32 v33, v20;
	v31 =	vadd.f32 $1.649981290e-01, v31;
	v18 =	vadd.f32 $-4.998255070e-01, v18  }
0xf5: {  	v29 =	vadd.f32 $-2.394333780e-01, v29;
	v24 =	vadd.f32 $-2.394333780e-01, v24;
	v30 =	vmul.f32 v30, v22  }
0xf6: {  	v33 =	vadd.f32 $1.649981290e-01, v33;
	v34 =	vadd.f32 $1.000000000e+00, v34;
	v18 =	vmul.f32 v18, v11  }
0xf7: {  	v29 =	vmul.f32 v29, v26;
	v24 =	vmul.f32 v24, v21;
	v30 =	vadd.f32 $-2.394333780e-01, v30  }
0xf8: {  	v33 =	vmul.f32 v33, v20;
	v31 =	vmul.f32 v31, v13;
	v18 =	vadd.f32 $9.999936220e-01, v18  }
0xf9: {  	v29 =	vadd.f32 $3.314466480e-01, v29;
	v24 =	vadd.f32 $3.314466480e-01, v24;
	v30 =	vmul.f32 v30, v22  }
0xfa: {  	v33 =	vadd.f32 $-2.394333780e-01, v33;
	v31 =	vadd.f32 $-2.394333780e-01, v31;
	v35 =	vmul.f32 v18, v11  }
0xfb: {  	v25 =	vcvt.s32.f32 v25;
	v18 =	vmul.f32 v29, v26;
	v29 =	vadd.f32 $3.314466480e-01, v30  }
0xfc: {  	v24 =	vmul.f32 v24, v21;
	v30 =	vmul.f32 v33, v20;
	v11 =	vadd.f32 $-1.000000000e+00, v28  }
0xfd: {  	v25 =	vmul.f32 $6.931471820e-01, v25;
	v18 =	vadd.f32 $-4.998255070e-01, v18;
	v28 =	vmul.f32 v29, v22  }
0xfe: {  	v24 =	vadd.f32 $-4.998255070e-01, v24;
	v29 =	vadd.f32 $3.314466480e-01, v30;
	v30 =	vor.u32 $0x3F800000, v32  }
0xff: {  	v32 =	vmul.f32 v18, v26;
	v18 =	vadd.f32 $-1.000000000e+00, v30;
	v28 =	vadd.f32 $-4.998255070e-01, v28  }
0x100: {  	v27 =	vadd.s32 $0xFFFFFF81, v27;
	v24 =	vmul.f32 v24, v21;
	v29 =	vmul.f32 v29, v20  }
0x101: {  	v27 =	vcvt.s32.f32 v27;
	v30 =	vadd.f32 $9.999936220e-01, v32;
	v32 =	vmul.f32 $6.006604990e-03, v18  }
0x102: {  	v29 =	vadd.f32 $-4.998255070e-01, v29;
	v28 =	vmul.f32 v28, v22;
	(erf) = vrcp.f32 v34  }
0x103: {  	v23 =	vadd.s32 $0xFFFFFF81, v23;
	v27 =	vmul.f32 $6.931471820e-01, v27;
	v26 =	vmul.f32 v30, v26  }
0x104: {  	v24 =	vadd.f32 $9.999936220e-01, v24;
	v30 =	vmul.f32 v31, v13;
	v29 =	vmul.f32 v29, v20  }
0x105: {  	v23 =	vcvt.s32.f32 v23;
	v26 =	vadd.f32 v26, v27;
	v27 =	vadd.f32 $9.999936220e-01, v28  }
0x106: {  	v21 =	vmul.f32 v24, v21;
	v24 =	vadd.f32 $3.314466480e-01, v30;
	v28 =	vadd.f32 $9.999936220e-01, v29  }
0x107: {  	v19 =	vadd.s32 $0xFFFFFF81, v19;
	v17 =	vmul.f32 $6.931471820e-01, v17;
	v22 =	vmul.f32 v27, v22  }
0x108: {  	s4 =	sand.u32 $0x1E00, s26;
	v20 =	vmul.f32 v28, v20;
	v28 =	vsub.f32 $3.426460180e-02, v32;
	(erf) = vrcp.f32 v26  }
0x109: {  	s8 =	sand.u32 $0x180, s28;
	s28 =	smov.u32 s30;
	s4 =	sadd.s32 s4, s25;
	v23 =	vmul.f32 $6.931471820e-01, v23;
	v17 =	vadd.f32 v35, v17;
	v26 =	vmul.f32 $6.006604990e-03, v11  }
0x10a: {  	s8 =	sadd.s32 s8, s4;
	v24 =	vmul.f32 v24, v13;
	v20 =	vadd.f32 v20, v25;
	v25 =	vmul.f32 v28, v18  }
0x10b: {  	v19 =	vcvt.s32.f32 v19;
	v15 =	vmul.f32 v15, v8;
	s4 =	sadd.s32 s22, s8;
	s10 =	sadd.s32 s24, s8;
	s22 =	sadd.s32 s23, s8;
	v26 =	vsub.f32 $3.426460180e-02, v26;
	v27 =	vpop (erf)  }
0x10c: {  	v16 =	vshra.s32 v16, $0x17;
	s8 =	sadd.s32 s21, s8;
	s21 =	smov.u32 s14;
	v25 =	vadd.f32 $-9.229041640e-02, v25;
	(erf) = vrcp.f32 v20;
	[tilespmem:s22+$0x0] =	vst v27;
	s22 =	smov.u32 s5  }
0x10d: {  	s23 =	smov.u32 s15;
	s24 =	smov.u32 s6;
	v16 =	vadd.s32 $0xFFFFFF81, v16;
	v22 =	vadd.f32 v22, v23;
	v20 =	vadd.f32 $-4.998255070e-01, v24  }
0x10e: {  	v12 =	vshra.s32 v12, $0x17;
	v23 =	vmul.f32 v26, v11;
	v26 =	vmul.f32 v25, v18  }
0x10f: {  	v12 =	vadd.s32 $0xFFFFFF81, v12;
	v25 =	vmul.f32 $6.931471820e-01, v14;
	v20 =	vmul.f32 v20, v13  }
0x110: {  	v14 =	vcvt.s32.f32 v12;
	v23 =	vadd.f32 $-9.229041640e-02, v23;
	v12 =	vadd.f32 $1.649981290e-01, v26  }
0x111: {  	v19 =	vmul.f32 $6.931471820e-01, v19;
	v21 =	vadd.f32 v21, v25;
	v20 =	vadd.f32 $9.999936220e-01, v20;
	v24 =	vpop (erf)  }
0x112: {  	v15 =	vadd.f32 $2.838231920e-01, v15;
	v25 =	vmul.f32 v23, v11;
	v12 =	vmul.f32 v12, v18  }
0x113: {  	v10 =	vadd.f32 $9.991664290e-01, v10;
	v21 =	vmul.f32 v24, v21;
	(erf) = vrcp.f32 v22  }
0x114: {  	v15 =	vmul.f32 v15, v8;
	v13 =	vmul.f32 v20, v13;
	v20 =	vadd.f32 $1.649981290e-01, v25  }
0x115: {  	v3 =	vmul.f32 $6.931471820e-01, v3;
	v2 =	vmul.f32 v10, v2;
	v22 =	vand.u32 $0x7FFFFF, v21;
	v23 =	vpop (erf)  }
0x116: {  	v15 =	vadd.f32 $-4.896990950e-01, v15;
	v13 =	vadd.f32 v13, v19;
	v10 =	vor.u32 $0x3F800000, v22  }
0x117: {  	v2 =	vadd.f32 v2, v3;
	v19 =	vshra.s32 v21, $0x17;
	v10 =	vadd.f32 $-1.000000000e+00, v10  }
0x118: {  	v4 =	vmul.f32 v4, v0;
	v3 =	vadd.f32 $-2.394333780e-01, v12;
	v12 =	vmul.f32 v15, v8  }
0x119: {  	v2 =	vadd.f32 v2, v7;
	v20 =	vmul.f32 v20, v11;
	v15 =	vmul.f32 $2.980876530e-02, v10  }
0x11a: {  	v4 =	vadd.f32 $9.991664290e-01, v4;
	v3 =	vmul.f32 v3, v18;
	v7 =	vadd.f32 $9.991664290e-01, v12  }
0x11b: {  	v9 =	vmul.f32 $6.931471820e-01, v9;
	v13 =	vmul.f32 v23, v13;
	v15 =	vadd.f32 $-1.299571990e-01, v15  }
0x11c: {  	v4 =	vmul.f32 v4, v0;
	v3 =	vadd.f32 $3.314466480e-01, v3;
	v7 =	vmul.f32 v7, v8;
	v12 =	vpop (erf)  }
0x11d: {  	v8 =	vand.u32 $0x7FFFFF, v13;
	v0 =	vmovc v10;
	v21 =	vld [tilespmem:s2+$0x0];
	v12 =	vmul.f32 v12, v17;
	v17 =	vmul.f32 $1.000000010e-01, v2  }
0x11e: {  	v3 =	vmul.f32 v3, v18;
	v7 =	vadd.f32 v7, v9;
	v2 =	vadd.f32 $-2.394333780e-01, v20;
	v10 =	vld [tilespmem:s3+$0x0]  }
0x11f: {  	v4 =	vadd.f32 v4, v6;
	v9 =	vor.u32 $0x3F800000, v8;
	v8 =	vand.u32 $0x7FFFFF, v12  }
0x120: {  	v3 =	vadd.f32 $-4.998255070e-01, v3;
	v5 =	vadd.f32 v7, v5;
	v6 =	vor.u32 $0x3F800000, v8  }
0x121: {  	v1 =	vadd.f32 v4, v1;
	v2 =	vmul.f32 v2, v11;
	v8 =	vadd.f32 $-1.000000000e+00, v6  }
0x122: {  	v3 =	vmul.f32 v3, v18;
	v5 =	vmul.f32 $1.000000010e-01, v5;
	v6 =	vshra.s32 v12, $0x17;
	v4 =	vld [tilespmem:s17+$0x0]  }
0x123: {  	v1 =	vmul.f32 $1.000000010e-01, v1;
	v7 =	vld [tilespmem:s16+$0x0];
	v20 =	vmul.f32 $2.980876530e-02, v8;
	v12 =	vsub.f32 v10, v21  }
0x124: {  	v3 =	vadd.f32 $9.999936220e-01, v3;
	v5 =	vmul.f32 $1.442695020e+00, v5;
	v10 =	vadd.f32 $3.314466480e-01, v2  }
0x125: {  	v16 =	vcvt.s32.f32 v16;
	v21 =	vmul.f32 $1.442695020e+00, v1;
	v20 =	vadd.f32 $-1.299571990e-01, v20  }
0x126: {  	v3 =	vmul.f32 v3, v18;
	v2 =	vadd.f32 $-1.000000000e+00, v9;
	(erf) = vpow2.f32 v5  }
0x127: {  	v6 =	vadd.s32 $0xFFFFFF81, v6;
	v9 =	vmul.f32 $1.442695020e+00, v17;
	v5 =	vmul.f32 $6.931471820e-01, v16  }
0x128: {  	v1 =	vsub.f32 v4, v7;
	v4 =	vmul.f32 v10, v11;
	(erf) = vpow2.f32 v21  }
0x129: {  	v7 =	vmul.f32 $2.980876530e-02, v2;
	v3 =	vadd.f32 v3, v5;
	v5 =	vmul.f32 v20, v8  }
0x12a: {  	v10 =	vmul.f32 v15, v0;
	v4 =	vadd.f32 $-4.998255070e-01, v4;
	(erf) = vpow2.f32 v9  }
0x12b: {  	v7 =	vadd.f32 $-1.299571990e-01, v7;
	v9 =	vadd.f32 $2.838231920e-01, v5;
	(erf) = vrcp.f32 v3  }
0x12c: {  	v6 =	vcvt.s32.f32 v6;
	v3 =	vadd.f32 $2.838231920e-01, v10;
	v5 =	vld [tilespmem:s11+$0x0];
	v4 =	vmul.f32 v4, v11  }
.Ltmp0:
0x12d: {  	v13 =	vshra.s32 v13, $0x17;
	v7 =	vmul.f32 v7, v2;
	v18 =	vmul.f32 v9, v8;
	v10 =	vld [tilespmem:s7+$0x0];
	(pc) =	sbr.rel @p0 .LBB2_3-.Ltmp0, $4  }
0x12e: {  	v15 =	vmul.f32 v3, v0;
	v3 =	vadd.s32 $0xFFFFFF81, v13;
	v16 =	vadd.f32 $9.999936220e-01, v4  }
0x12f: {  	v13 =	vadd.f32 $2.838231920e-01, v7;
	v3 =	vcvt.s32.f32 v3;
	v20 =	vadd.f32 $-4.896990950e-01, v18;
	v9 =	vpop (erf)  }
0x130: {  	v4 =	vadd.f32 $-4.896990950e-01, v15;
	v7 =	vld [tilespmem:s1+$0x0];
	v16 =	vmul.f32 v16, v11;
	v15 =	vadd.f32 $1.000000000e+00, v9  }
0x131: {  	s29 =	sadd.s32 $0x80, s29;
	s31 =	sadd.s32 $0x40, s31;
	s26 =	sadd.s32 $0x100, s26;
	v18 =	vmul.f32 $6.931471820e-01, v14;
	v11 =	vadd.s32 $0xFFFFFF81, v19;
	v14 =	vmul.f32 v20, v8;
	v9 =	vld [tilespmem:s0+$0x0];
	v17 =	vpop (erf)  }
0x132: {  	_ = 	snop  }
0x133: {  	v16 =	vadd.f32 v16, v18;
	v36 =	vpop (erf)  }
0x134: {  	v19 =	vpop (erf)  }
0x135: {  	v16 =	vmul.f32 v19, v16;
	_ =	sdelay $0x1  }
0x136: {  	v19 =	vand.u32 $0x7FFFFF, v16  }
0x137: {  	v19 =	vor.u32 $0x3F800000, v19  }
0x138: {  	v19 =	vadd.f32 $-1.000000000e+00, v19;
	_ =	sdelay $0x1  }
0x139: {  	v20 =	vmul.f32 $2.980876530e-02, v19  }
0x13a: {  	v14 =	vadd.f32 $9.991664290e-01, v14  }
0x13b: {  	v20 =	vadd.f32 $-1.299571990e-01, v20  }
0x13c: {  	v6 =	vmul.f32 $6.931471820e-01, v6;
	v8 =	vmul.f32 v14, v8  }
0x13d: {  	v37 =	vmul.f32 v20, v19  }
0x13e: {  	v6 =	vadd.f32 v8, v6  }
0x13f: {  	v38 =	vadd.f32 $2.838231920e-01, v37  }
0x140: {  	v6 =	vadd.f32 v6, v12  }
0x141: {  	v39 =	vmul.f32 v13, v2;
	v8 =	vmul.f32 v38, v19  }
0x142: {  	v40 =	vadd.f32 $1.000000000e+00, v17;
	v4 =	vmul.f32 v4, v0;
	v6 =	vmul.f32 $1.000000010e-01, v6  }
0x143: {  	(erf) = vrcp.f32 v15;
	v41 =	vadd.f32 $1.000000000e+00, v36;
	v8 =	vadd.f32 $-4.896990950e-01, v8  }
0x144: {  	(erf) = vrcp.f32 v40;
	v6 =	vmul.f32 $1.442695020e+00, v6  }
0x145: {  	(erf) = vrcp.f32 v41;
	v42 =	vshra.s32 v16, $0x17;
	v8 =	vmul.f32 v8, v19  }
0x146: {  	v13 =	vadd.s32 $0xFFFFFF81, v42;
	v12 =	vadd.f32 $-4.896990950e-01, v39;
	(erf) = vpow2.f32 v6  }
0x147: {  	v44 =	vcvt.s32.f32 v13;
	v8 =	vadd.f32 $9.991664290e-01, v8  }
0x148: {  	v11 =	vcvt.s32.f32 v11;
	v4 =	vadd.f32 $9.991664290e-01, v4;
	v43 =	vmul.f32 v12, v2  }
0x149: {  	v12 =	vmul.f32 $6.931471820e-01, v44;
	v8 =	vmul.f32 v8, v19  }
0x14a: {  	v5 =	vsub.f32 v5, v10;
	v45 =	vmul.f32 $6.931471820e-01, v11;
	v46 =	vmul.f32 v4, v0  }
0x14b: {  	v6 =	vadd.f32 $9.991664290e-01, v43;
	v48 =	vadd.f32 v8, v12  }
0x14c: {  	v0 =	vadd.f32 v46, v45;
	v50 =	vpop (erf)  }
0x14d: {  	v3 =	vmul.f32 $6.931471820e-01, v3;
	v51 =	vpop (erf);
	v47 =	vmul.f32 v6, v2;
	v52 =	vadd.f32 v48, v5  }
0x14e: {  	v0 =	vadd.f32 v0, v1;
	v53 =	vpop (erf)  }
0x14f: {  	v49 =	vsub.f32 v7, v9;
	v2 =	vadd.f32 v47, v3;
	v54 =	vpop (erf);
	v3 =	vmul.f32 $1.000000010e-01, v52  }
0x150: {  	v0 =	vmul.f32 $1.000000010e-01, v0;
	v1 =	vadd.f32 $1.000000000e+00, v54  }
0x151: {  	v2 =	vadd.f32 v2, v49;
	v3 =	vmul.f32 $1.442695020e+00, v3  }
0x152: {  	v0 =	vmul.f32 $1.442695020e+00, v0;
	(erf) = vrcp.f32 v1  }
0x153: {  	v2 =	vmul.f32 $1.000000010e-01, v2;
	(erf) = vpow2.f32 v3  }
0x154: {  	(erf) = vpow2.f32 v0  }
0x155: {  	v55 =	vmul.f32 $1.442695020e+00, v2;
	_ =	sdelay $0x1  }
0x156: {  	(erf) = vpow2.f32 v55;
	_ =	sdelay $0x3  }
0x157: {  	v56 =	vpop (erf)  }
0x158: {  	v57 =	vpop (erf)  }
0x159: {  	v1 =	vadd.f32 $1.000000000e+00, v57;
	v58 =	vpop (erf)  }
0x15a: {  	v2 =	vadd.f32 $1.000000000e+00, v58  }
0x15b: {  	(erf) = vrcp.f32 v1  }
0x15c: {  	v59 =	vpop (erf);
	(erf) = vrcp.f32 v2  }
0x15d: {  	v60 =	vadd.f32 $1.000000000e+00, v59;
	_ =	sdelay $0x1  }
0x15e: {  	(erf) = vrcp.f32 v60  }
0x15f: {  	s0 =	sand.u32 $0x1E00, s26  }
0x160: {  	s1 =	sand.u32 $0x180, s28;
	s0 =	sadd.s32 s0, s25;
	[tilespmem:s10+$0x0] =	vst v50  }
0x161: {  	s0 =	sadd.s32 s1, s0;
	[tilespmem:s8+$0x0] =	vst v51  }
0x162: {  	s2 =	sadd.s32 s23, s0;
	[tilespmem:s4+$0x0] =	vst v53  }
0x163: {  	s20 =	sshll.u32 s19, $0x2;
	s24 =	sadd.s32 s24, s0;
	s3 =	rddreg [dreg:$0x5];
	[tilespmem:s2+$0x0] =	vst v56;
	v61 =	vpop (erf)  }
0x164: {  	p0 =	sne.s32 s18, $0x7;
	s28 =	sadd.s32 s21, s0;
	s1 =	sadd.s32 s3, s20;
	[tilespmem:s24+$0x0] =	vst v61;
	v62 =	vpop (erf)  }
.Ltmp1:
0x165: {  	s30 =	simm.s32 $0x200;
	s26 =	sshll.u32 s1, $0x4;
	[tilespmem:s28+$0x0] =	vst v62;
	(pc) =	sbr.rel @p0 .LBB2_2-.Ltmp1, $4  }
0x166: {  	s1 =	sshll.u32 s1, $0x8;
	s2 =	sand.u32 $0x40, s26;
	s3 =	rddreg [dreg:$0x4]  }
0x167: {  	s0 =	sadd.s32 s22, s0;
	s1 =	sand.u32 $0xFFFF800, s1;
	v63 =	vpop (erf);
	s2 =	sadd.s32 s3, s2  }
0x168: {  	s31 =	simm.s32 $0x400;
	s19 =	smov.u32 s18;
	[tilespmem:s0+$0x0] =	vst v63;
	s29 =	sadd.s32 s1, s2  }
0x169: {  	[hbm4b:s29+s30] =	stream.strided.scatter [tilespmem:s25], [sflag:$0x3], $0x2000, s31, s30, $0x38;
	[tilespmem:$0x14000] =	vst v63  }
0x16a: {  	s1 =	simm.s32 $0x3  }
0x16b: {  	_ =	swait.ge [sflag:s1], $0x2000  }
0x16c: {  	[sflag:s1] =	ssyncset.done $0x0  }
0x16d: {  	[sflag:s1] =	ssyncadd.s32 $0xFFFFE000  }
0x16e: {  	_ =	swait.ge [sflag:s1], $0x2000  }
0x16f: {  	s2 =	rddreg [dreg:$0x9]  }
0x170: {  	s0 =	rddreg [dreg:$0x8];
	s2 =	sadd.s32 $0x1, s2  }
0x171: {  	p0 =	sne.s32 s2, s0  }
.Ltmp2:
0x172: {  	_ = 	snop;
	(pc) =	sbr.rel @p0 .LBB2_1-.Ltmp2, $3  }
0x173: {  	_ =	sdelay $0x1  }
0x174: {  	[sflag:s1] =	ssyncset.done $0x0  }
0x175: {  	[sflag:s1] =	ssyncadd.s32 $0xFFFFE000  }
0x176: {  	_ =	sfence.sel $0x180000  }
0x177: {  	[bflag:$0x0] =	sbarrier.arrive $0xFFFF  }
0x178: {  	_ =	strace $0x90000047  }
0x179: {  	s0 =	stileid.u32;
	[bflag:$0x2] =	sbarrier.arrive $0xFFFF  }
0x17a: {  	p0 =	sne.s32 s0, $0x0;
	s0 =	rddreg [dreg:$0x3]  }
0x17b: {  	s0 =	sadd.s32 @!p0 $0x100000, s0  }
0x17c: {  	[sflag:s0] =	ssyncadd.tile.s32 @!p0 $0x1;
	_ =	shalt  }
.Lfunc_end2:
_tile_overlayer_lowered:
.L_overlay_start_2:
0x17d: {  	(tag) =	ssettag $0x2  }
0x17e: {  	s0 =	rddreg [dreg:$0x0];
	s2 =	stileid.u32  }
0x17f: {  	s1 =	rddreg [dreg:$0x1];
	p0 =	sne.s32 s2, $0x0  }
0x180: {  	s3 =	rddreg [dreg:$0x2];
	[bflag:$0x3] =	sbarrier.arrive $0xFFFF;
	s2 =	simm.s32 @!p0 $0x1C04  }
0x181: {  	[timem:s3], [sflag:s2] =	dma.local @!p0 [hbm:s0], s1  }
0x182: {  	s0 =	simm.s32 @!p0 $0x4  }
0x183: {  	_ =	swait.ge @!p0 [sflag:s0], s1  }
0x184: {  	s1 =	ssub.s32 @!p0 $0x0, s1;
	[sflag:s0] =	ssyncset.done @!p0 $0x0  }
0x185: {  	[sflag:s0] =	ssyncadd.s32 @!p0 s1  }
0x186: {  	[bflag:$0x3] =	sbarrier.arrive $0xFFFF  }
0x187: {  	_ =	shalt  }

</sc_bundles>
